<compile_context>
chip_gen: v7x
topology: tpu7x:2x2x1
jax: 0.10.2.dev20260603
libtpu: 0.0.44.dev20260713+nightly
codegen_flags: <defaults>
</compile_context>

<pallas_src>
import functools

import jax
import jax.numpy as jnp
from jax import lax
from jax.experimental import pallas as pl
from jax.experimental.pallas import tpu as pltpu
from jax.experimental.pallas import tpu_sc as plsc

N = 10000
E = 320000
D = 128
NC = 2
NS = 16
NW = NC * NS
EPW = E // NW
B = 80
NCHUNK = EPW // B
NPAD = 10240
RPS = NPAD // NS
ZR = 128


def _deg_body(src_hbm, dst_hbm, degs_hbm, degd_hbm,
              ones_v, sidx_v, didx_v, zrow_v, accs, accd):
    c = lax.axis_index("c")
    s = lax.axis_index("s")
    wid = c * NS + s
    base = wid * EPW
    o16 = jnp.full((16,), 1.0, jnp.float32)
    z16 = jnp.zeros((16,), jnp.float32)

    def init_ones(i, _):
        ones_v[i, :] = o16
        return 0
    lax.fori_loop(0, B, init_ones, 0)

    def init_z(i, _):
        zrow_v[i, :] = z16
        return 0
    lax.fori_loop(0, ZR, init_z, 0)

    def zloop(k, _):
        start = s * RPS + k * ZR
        pltpu.sync_copy(zrow_v, accs.at[pl.ds(start, ZR)])
        pltpu.sync_copy(zrow_v, accd.at[pl.ds(start, ZR)])
        return 0
    lax.fori_loop(0, RPS // ZR, zloop, 0)
    plsc.subcore_barrier()

    def eloop(j, _):
        off = base + j * B
        pltpu.sync_copy(src_hbm.at[pl.ds(off, B)], sidx_v)
        pltpu.sync_copy(dst_hbm.at[pl.ds(off, B)], didx_v)
        pltpu.sync_copy(ones_v, accs.at[sidx_v], add=True)
        pltpu.sync_copy(ones_v, accd.at[didx_v], add=True)
        return 0
    lax.fori_loop(0, NCHUNK, eloop, 0)
    plsc.subcore_barrier()

    r0 = s * RPS
    pltpu.sync_copy(accs.at[pl.ds(r0, RPS)], degs_hbm.at[c, pl.ds(r0, RPS), :])
    pltpu.sync_copy(accd.at[pl.ds(r0, RPS)], degd_hbm.at[c, pl.ds(r0, RPS), :])


@functools.cache
def _deg_call():
    mesh = plsc.VectorSubcoreMesh(core_axis_name="c", subcore_axis_name="s",
                                  num_cores=NC, num_subcores=NS)
    return pl.kernel(
        _deg_body,
        out_type=(jax.ShapeDtypeStruct((NC, NPAD, 16), jnp.float32),
                  jax.ShapeDtypeStruct((NC, NPAD, 16), jnp.float32)),
        mesh=mesh,
        scratch_types=[
            pltpu.VMEM((B, 16), jnp.float32),
            pltpu.VMEM((B,), jnp.int32),
            pltpu.VMEM((B,), jnp.int32),
            pltpu.VMEM((ZR, 16), jnp.float32),
            pltpu.VMEM_SHARED((NPAD, 16), jnp.float32),
            pltpu.VMEM_SHARED((NPAD, 16), jnp.float32),
        ],
    )


def _agg_body(x_hbm, src_hbm, dst_hbm, aggp_hbm,
              rows_a, rows_b, sidx_v, didx_v, acc, sem_a, sem_b):
    c = lax.axis_index("c")
    s = lax.axis_index("s")
    wid = c * NS + s
    z16 = jnp.zeros((16,), jnp.float32)

    pltpu.sync_copy(src_hbm.at[pl.ds(wid * EPW, EPW)], sidx_v)
    pltpu.sync_copy(dst_hbm.at[wid], didx_v)

    def init_z(i, _):
        for jj in range(D // 16):
            rows_b[i, pl.ds(jj * 16, 16)] = z16
        return 0
    lax.fori_loop(0, B, init_z, 0)

    def zloop(k, _):
        start = s * RPS + k * B
        pltpu.sync_copy(rows_b, acc.at[pl.ds(start, B)])
        return 0
    lax.fori_loop(0, RPS // B, zloop, 0)
    plsc.subcore_barrier()

    def eloop(i, _):
        j = i * 2
        ha = pltpu.async_copy(x_hbm.at[sidx_v.at[pl.ds(j * B, B)]],
                              rows_a, sem_a)
        hb = pltpu.async_copy(x_hbm.at[sidx_v.at[pl.ds((j + 1) * B, B)]],
                              rows_b, sem_b)
        ha.wait()
        pltpu.sync_copy(rows_a, acc.at[didx_v.at[j]], add=True)
        hb.wait()
        pltpu.sync_copy(rows_b, acc.at[didx_v.at[j + 1]], add=True)
        return 0
    lax.fori_loop(0, NCHUNK // 2, eloop, 0)
    pltpu.async_copy(x_hbm.at[sidx_v.at[pl.ds((NCHUNK - 1) * B, B)]],
                     rows_a, sem_a).wait()
    pltpu.sync_copy(rows_a, acc.at[didx_v.at[NCHUNK - 1]], add=True)
    plsc.subcore_barrier()

    r0 = s * RPS
    pltpu.sync_copy(acc.at[pl.ds(r0, RPS)], aggp_hbm.at[c, pl.ds(r0, RPS), :])


@functools.cache
def _agg_call():
    mesh = plsc.VectorSubcoreMesh(core_axis_name="c", subcore_axis_name="s",
                                  num_cores=NC, num_subcores=NS)
    return pl.kernel(
        _agg_body,
        out_type=jax.ShapeDtypeStruct((NC, NPAD, D), jnp.float32),
        mesh=mesh,
        scratch_types=[
            pltpu.VMEM((B, D), jnp.float32),
            pltpu.VMEM((B, D), jnp.float32),
            pltpu.VMEM((EPW,), jnp.int32),
            pltpu.VMEM((NCHUNK, B), jnp.int32),
            pltpu.VMEM_SHARED((NPAD, D), jnp.float32),
            pltpu.SemaphoreType.DMA,
            pltpu.SemaphoreType.DMA,
        ],
    )


def _prep_body(h_ref, degs_ref, degd_ref, x0_ref, oisq_ref, iisq_ref):
    ds = (degs_ref[0] + degs_ref[1])[:N, 0:1]
    dd = (degd_ref[0] + degd_ref[1])[:N, 0:1]
    oisq = lax.rsqrt(jnp.maximum(ds, 1.0))
    iisq = lax.rsqrt(jnp.maximum(dd, 1.0))
    oisq_ref[...] = oisq
    iisq_ref[...] = iisq
    x0_ref[...] = h_ref[...] * oisq


_prep_call = pl.pallas_call(
    _prep_body,
    out_shape=(jax.ShapeDtypeStruct((N, D), jnp.float32),
               jax.ShapeDtypeStruct((N, 1), jnp.float32),
               jax.ShapeDtypeStruct((N, 1), jnp.float32)),
)


def _l1_body(aggp_ref, oisq_ref, iisq_ref, w_ref, b_ref, x1_ref):
    agg = (aggp_ref[0] + aggp_ref[1])[:N] * iisq_ref[...]
    h1 = jnp.dot(agg, w_ref[...], preferred_element_type=jnp.float32) + b_ref[...]
    x1_ref[...] = jnp.maximum(h1, 0.0) * oisq_ref[...]


_l1_call = pl.pallas_call(
    _l1_body,
    out_shape=jax.ShapeDtypeStruct((N, D), jnp.float32),
)


def _l2_body(aggp_ref, iisq_ref, w_ref, b_ref, p_ref, h2_ref):
    agg = (aggp_ref[0] + aggp_ref[1])[:N] * iisq_ref[...]
    h2 = jnp.dot(agg, w_ref[...], preferred_element_type=jnp.float32) + b_ref[...]
    m = jnp.max(h2, axis=1, keepdims=True)
    e = jnp.exp(h2 - m)
    p_ref[...] = e / jnp.sum(e, axis=1, keepdims=True)
    h2_ref[...] = h2


_l2_call = pl.pallas_call(
    _l2_body,
    out_shape=(jax.ShapeDtypeStruct((N, D), jnp.float32),
               jax.ShapeDtypeStruct((N, D), jnp.float32)),
)


def kernel(h, edge_index, W1, b1, W2, b2):
    src1d = edge_index[0]
    dst1d = edge_index[1]
    dst3d = dst1d.reshape(NW, NCHUNK, B)
    degs, degd = _deg_call()(src1d, dst1d)
    x0, oisq, iisq = _prep_call(h, degs, degd)
    aggp1 = _agg_call()(x0, src1d, dst3d)
    x1 = _l1_call(aggp1, oisq, iisq, W1, b1.reshape(1, D))
    aggp2 = _agg_call()(x1, src1d, dst3d)
    p, h2 = _l2_call(aggp2, iisq, W2, b2.reshape(1, D))
    return (p, h2)

# --- scband reference (transcript-rebuilt; emitter-appended) ---
"""Pipeline reference for scband-gcn-88321707475504 (READ-ONLY COPY).

The authoritative reference and input builder live on the scoring server;
editing this copy changes nothing except your own understanding.
"""

import jax, jax.numpy as jnp
import numpy as np

N = 10000
E = 320000
D_IN = 128
D_H = 128
D_OUT = 128


def setup_inputs(seed: int = 0) -> dict:
    key = jax.random.key(seed)
    k1, k2, k3, k4 = jax.random.split(key, 4)
    h = jax.random.normal(k1, (N, D_IN), dtype=jnp.float32)
    edge_index = jax.random.randint(k2, (2, E), 0, N, dtype=jnp.int32)
    # Glorot-uniform style init for GraphConv weights (in_feats, out_feats)
    lim1 = float(np.sqrt(6.0 / (D_IN + D_H)))
    lim2 = float(np.sqrt(6.0 / (D_H + D_OUT)))
    W1 = jax.random.uniform(k3, (D_IN, D_H), dtype=jnp.float32, minval=-lim1, maxval=lim1)
    W2 = jax.random.uniform(k4, (D_H, D_OUT), dtype=jnp.float32, minval=-lim2, maxval=lim2)
    b1 = jnp.zeros((D_H,), dtype=jnp.float32)
    b2 = jnp.zeros((D_OUT,), dtype=jnp.float32)
    return {"h": h, "edge_index": edge_index, "W1": W1, "b1": b1, "W2": W2, "b2": b2}


def _graph_conv(h, src, dst, W, b, out_isqrt, in_isqrt, in_feats, out_feats):
    # DGL GraphConv, norm='both', allow_zero_in_degree=True
    h = h * out_isqrt[:, None]
    if in_feats > out_feats:
        # mult W first to reduce message size
        h = h @ W
        agg = jax.ops.segment_sum(h[src], dst, num_segments=N)
    else:
        agg = jax.ops.segment_sum(h[src], dst, num_segments=N)
        agg = agg @ W
    agg = agg * in_isqrt[:, None]
    return agg + b


def reference(h, edge_index, W1, b1, W2, b2):
    src = edge_index[0]
    dst = edge_index[1]
    out_deg = jnp.maximum(jnp.bincount(src, length=N), 1).astype(jnp.float32)
    in_deg = jnp.maximum(jnp.bincount(dst, length=N), 1).astype(jnp.float32)
    out_isqrt = out_deg ** -0.5
    in_isqrt = in_deg ** -0.5
    # dropout p=0.0 -> identity
    h1 = _graph_conv(h, src, dst, W1, b1, out_isqrt, in_isqrt, D_IN, D_H)
    h1 = jax.nn.relu(h1)
    h2 = _graph_conv(h1, src, dst, W2, b2, out_isqrt, in_isqrt, D_H, D_OUT)
    return (jax.nn.softmax(h2, axis=1), h2)

if __name__ == "__main__":
    import jax
    _d = setup_inputs()
    print(jax.jit(kernel)(*tuple(_d.values())))

</pallas_src>

<mosaic_0001>
#map = affine_map<(d0, d1) -> (0, 0)>
#map1 = affine_map<(d0, d1) -> (0)>
#map2 = affine_map<(d0, d1) -> (0, 0, 0)>
module attributes {stable_mosaic.version = 14 : i64} {
  func.func @_agg_body(%arg0: i32, %arg1: i32, %arg2: memref<10000x128xf32, #tpu.memory_space<hbm>>, %arg3: memref<320000xi32, #tpu.memory_space<hbm>>, %arg4: memref<32x125x80xi32, #tpu.memory_space<hbm>>, %arg5: memref<2x10240x128xf32, #tpu.memory_space<hbm>>, %arg6: memref<80x128xf32, #tpu.memory_space<vmem>>, %arg7: memref<80x128xf32, #tpu.memory_space<vmem>>, %arg8: memref<10000xi32, #tpu.memory_space<vmem>>, %arg9: memref<125x80xi32, #tpu.memory_space<vmem>>, %arg10: memref<10240x128xf32, #tpu.memory_space<vmem_shared>>, %arg11: memref<!tpu.dma_semaphore, #tpu.memory_space<semaphore_mem>>, %arg12: memref<!tpu.dma_semaphore, #tpu.memory_space<semaphore_mem>>) attributes {dimension_semantics = [#tpu.dimension_semantics<core_parallel>, #tpu.dimension_semantics<subcore_parallel>], iteration_bounds = array<i64: 2, 16>, scalar_prefetch = 0 : i64, scratch_operands = 7 : i64, tpu.core_type = #tpu.core_type<sc_vector_subcore>, window_params = [{transform_indices = #map}, {transform_indices = #map1}, {transform_indices = #map2}, {transform_indices = #map2}]} {
    %mul3A = arith.constant 16 : i32
    %mul3A_0 = arith.muli %arg0, %mul3A : i32
    %add3A = arith.addi %mul3A_0, %arg1 : i32
    %broadcast_in_dim3A = arith.constant 0.000000e+00 : f32
    %broadcast_in_dim3A_1 = vector.broadcast %broadcast_in_dim3A : f32 to vector<16xf32>
    %mul3A_2 = arith.constant 10000 : i32
    %mul3A_3 = arith.muli %add3A, %mul3A_2 : i32
    "tpu.region"() ({
      %run_scoped3A_35 = tpu.sem_alloc : memref<!tpu.dma_semaphore, #tpu.memory_space<semaphore_mem>>
      %dma_start3A_36 = tpu.memref_slice %arg3[%mul3A_3] : memref<320000xi32, #tpu.memory_space<hbm>> -> memref<10000xi32, #tpu.memory_space<hbm>>
      %dma_start3A_37 = tpu.memref_slice %arg3[%mul3A_3] : memref<320000xi32, #tpu.memory_space<hbm>> -> memref<10000xi32, #tpu.memory_space<hbm>>
      tpu.enqueue_dma source(%dma_start3A_37 : memref<10000xi32, #tpu.memory_space<hbm>>) target(%arg8 : memref<10000xi32, #tpu.memory_space<vmem>>) target_semaphore(%run_scoped3A_35 : memref<!tpu.dma_semaphore, #tpu.memory_space<semaphore_mem>>)
      %dma_wait3A_38 = tpu.memref_slice %arg3[%mul3A_3] : memref<320000xi32, #tpu.memory_space<hbm>> -> memref<10000xi32, #tpu.memory_space<hbm>>
      %dma_wait3A_39 = tpu.memref_slice %arg3[%mul3A_3] : memref<320000xi32, #tpu.memory_space<hbm>> -> memref<10000xi32, #tpu.memory_space<hbm>>
      tpu.wait_dma2 semaphore(%run_scoped3A_35 : memref<!tpu.dma_semaphore, #tpu.memory_space<semaphore_mem>>) src(%dma_wait3A_39 : memref<10000xi32, #tpu.memory_space<hbm>>) dst(%arg8 : memref<10000xi32, #tpu.memory_space<vmem>>)
      tpu.yield
    }) : () -> ()
    "tpu.region"() ({
      %run_scoped3A_35 = tpu.sem_alloc : memref<!tpu.dma_semaphore, #tpu.memory_space<semaphore_mem>>
      %dma_start3A_36 = arith.constant 0 : i32
      %dma_start3A_37 = arith.constant 0 : i32
      %dma_start3A_38 = tpu.memref_slice %arg4[%add3A, %dma_start3A_36, %dma_start3A_37] : memref<32x125x80xi32, #tpu.memory_space<hbm>> -> memref<1x125x80xi32, #tpu.memory_space<hbm>>
      %dma_start3A_39 = tpu.memref_squeeze %dma_start3A_38 : memref<1x125x80xi32, #tpu.memory_space<hbm>> -> memref<125x80xi32, #tpu.memory_space<hbm>>
      %dma_start3A_40 = arith.constant 0 : i32
      %dma_start3A_41 = arith.constant 0 : i32
      %dma_start3A_42 = tpu.memref_slice %arg4[%add3A, %dma_start3A_40, %dma_start3A_41] : memref<32x125x80xi32, #tpu.memory_space<hbm>> -> memref<1x125x80xi32, #tpu.memory_space<hbm>>
      %dma_start3A_43 = tpu.memref_squeeze %dma_start3A_42 : memref<1x125x80xi32, #tpu.memory_space<hbm>> -> memref<125x80xi32, #tpu.memory_space<hbm>>
      tpu.enqueue_dma source(%dma_start3A_43 : memref<125x80xi32, #tpu.memory_space<hbm>>) target(%arg9 : memref<125x80xi32, #tpu.memory_space<vmem>>) target_semaphore(%run_scoped3A_35 : memref<!tpu.dma_semaphore, #tpu.memory_space<semaphore_mem>>)
      %dma_wait3A_44 = arith.constant 0 : i32
      %dma_wait3A_45 = arith.constant 0 : i32
      %dma_wait3A_46 = tpu.memref_slice %arg4[%add3A, %dma_wait3A_44, %dma_wait3A_45] : memref<32x125x80xi32, #tpu.memory_space<hbm>> -> memref<1x125x80xi32, #tpu.memory_space<hbm>>
      %dma_wait3A_47 = tpu.memref_squeeze %dma_wait3A_46 : memref<1x125x80xi32, #tpu.memory_space<hbm>> -> memref<125x80xi32, #tpu.memory_space<hbm>>
      %dma_wait3A_48 = arith.constant 0 : i32
      %dma_wait3A_49 = arith.constant 0 : i32
      %dma_wait3A_50 = tpu.memref_slice %arg4[%add3A, %dma_wait3A_48, %dma_wait3A_49] : memref<32x125x80xi32, #tpu.memory_space<hbm>> -> memref<1x125x80xi32, #tpu.memory_space<hbm>>
      %dma_wait3A_51 = tpu.memref_squeeze %dma_wait3A_50 : memref<1x125x80xi32, #tpu.memory_space<hbm>> -> memref<125x80xi32, #tpu.memory_space<hbm>>
      tpu.wait_dma2 semaphore(%run_scoped3A_35 : memref<!tpu.dma_semaphore, #tpu.memory_space<semaphore_mem>>) src(%dma_wait3A_51 : memref<125x80xi32, #tpu.memory_space<hbm>>) dst(%arg9 : memref<125x80xi32, #tpu.memory_space<vmem>>)
      tpu.yield
    }) : () -> ()
    %scan3A = arith.constant 0 : i32
    %scan3A_4 = arith.constant 0 : i32
    %scan3A_5 = arith.constant 80 : i32
    %scan3A_6 = arith.addi %scan3A_4, %scan3A_5 : i32
    %scan3A_7 = arith.constant 1 : i32
    %scan3A_8 = scf.for %scan3A_35 = %scan3A_4 to %scan3A_6 step %scan3A_7 iter_args(%scan3A_36 = %scan3A) -> (i32)  : i32 {
      %swap3A = arith.index_cast %scan3A_35 : i32 to index
      %swap3A_37 = arith.constant 0 : index
      %swap3A_38 = tpu.vector_load %arg7[%swap3A, %swap3A_37] {strides = array<i32>} : memref<80x128xf32, #tpu.memory_space<vmem>>, vector<1x16xf32>,
      %swap3A_39 = vector.shape_cast %swap3A_38 : vector<1x16xf32> to vector<16xf32>
      %swap3A_40 = vector.shape_cast %broadcast_in_dim3A_1 : vector<16xf32> to vector<1x16xf32>
      tpu.vector_store %arg7[%swap3A, %swap3A_37], %swap3A_40 {strides = array<i32>} : memref<80x128xf32, #tpu.memory_space<vmem>>, vector<1x16xf32>,
      %swap3A_41 = arith.index_cast %scan3A_35 : i32 to index
      %swap3A_42 = arith.constant 16 : index
      %swap3A_43 = tpu.vector_load %arg7[%swap3A_41, %swap3A_42] {strides = array<i32>} : memref<80x128xf32, #tpu.memory_space<vmem>>, vector<1x16xf32>,
      %swap3A_44 = vector.shape_cast %swap3A_43 : vector<1x16xf32> to vector<16xf32>
      %swap3A_45 = vector.shape_cast %broadcast_in_dim3A_1 : vector<16xf32> to vector<1x16xf32>
      tpu.vector_store %arg7[%swap3A_41, %swap3A_42], %swap3A_45 {strides = array<i32>} : memref<80x128xf32, #tpu.memory_space<vmem>>, vector<1x16xf32>,
      %swap3A_46 = arith.index_cast %scan3A_35 : i32 to index
      %swap3A_47 = arith.constant 32 : index
      %swap3A_48 = tpu.vector_load %arg7[%swap3A_46, %swap3A_47] {strides = array<i32>} : memref<80x128xf32, #tpu.memory_space<vmem>>, vector<1x16xf32>,
      %swap3A_49 = vector.shape_cast %swap3A_48 : vector<1x16xf32> to vector<16xf32>
      %swap3A_50 = vector.shape_cast %broadcast_in_dim3A_1 : vector<16xf32> to vector<1x16xf32>
      tpu.vector_store %arg7[%swap3A_46, %swap3A_47], %swap3A_50 {strides = array<i32>} : memref<80x128xf32, #tpu.memory_space<vmem>>, vector<1x16xf32>,
      %swap3A_51 = arith.index_cast %scan3A_35 : i32 to index
      %swap3A_52 = arith.constant 48 : index
      %swap3A_53 = tpu.vector_load %arg7[%swap3A_51, %swap3A_52] {strides = array<i32>} : memref<80x128xf32, #tpu.memory_space<vmem>>, vector<1x16xf32>,
      %swap3A_54 = vector.shape_cast %swap3A_53 : vector<1x16xf32> to vector<16xf32>
      %swap3A_55 = vector.shape_cast %broadcast_in_dim3A_1 : vector<16xf32> to vector<1x16xf32>
      tpu.vector_store %arg7[%swap3A_51, %swap3A_52], %swap3A_55 {strides = array<i32>} : memref<80x128xf32, #tpu.memory_space<vmem>>, vector<1x16xf32>,
      %swap3A_56 = arith.index_cast %scan3A_35 : i32 to index
      %swap3A_57 = arith.constant 64 : index
      %swap3A_58 = tpu.vector_load %arg7[%swap3A_56, %swap3A_57] {strides = array<i32>} : memref<80x128xf32, #tpu.memory_space<vmem>>, vector<1x16xf32>,
      %swap3A_59 = vector.shape_cast %swap3A_58 : vector<1x16xf32> to vector<16xf32>
      %swap3A_60 = vector.shape_cast %broadcast_in_dim3A_1 : vector<16xf32> to vector<1x16xf32>
      tpu.vector_store %arg7[%swap3A_56, %swap3A_57], %swap3A_60 {strides = array<i32>} : memref<80x128xf32, #tpu.memory_space<vmem>>, vector<1x16xf32>,
      %swap3A_61 = arith.index_cast %scan3A_35 : i32 to index
      %swap3A_62 = arith.constant 80 : index
      %swap3A_63 = tpu.vector_load %arg7[%swap3A_61, %swap3A_62] {strides = array<i32>} : memref<80x128xf32, #tpu.memory_space<vmem>>, vector<1x16xf32>,
      %swap3A_64 = vector.shape_cast %swap3A_63 : vector<1x16xf32> to vector<16xf32>
      %swap3A_65 = vector.shape_cast %broadcast_in_dim3A_1 : vector<16xf32> to vector<1x16xf32>
      tpu.vector_store %arg7[%swap3A_61, %swap3A_62], %swap3A_65 {strides = array<i32>} : memref<80x128xf32, #tpu.memory_space<vmem>>, vector<1x16xf32>,
      %swap3A_66 = arith.index_cast %scan3A_35 : i32 to index
      %swap3A_67 = arith.constant 96 : index
      %swap3A_68 = tpu.vector_load %arg7[%swap3A_66, %swap3A_67] {strides = array<i32>} : memref<80x128xf32, #tpu.memory_space<vmem>>, vector<1x16xf32>,
      %swap3A_69 = vector.shape_cast %swap3A_68 : vector<1x16xf32> to vector<16xf32>
      %swap3A_70 = vector.shape_cast %broadcast_in_dim3A_1 : vector<16xf32> to vector<1x16xf32>
      tpu.vector_store %arg7[%swap3A_66, %swap3A_67], %swap3A_70 {strides = array<i32>} : memref<80x128xf32, #tpu.memory_space<vmem>>, vector<1x16xf32>,
      %swap3A_71 = arith.index_cast %scan3A_35 : i32 to index
      %swap3A_72 = arith.constant 112 : index
      %swap3A_73 = tpu.vector_load %arg7[%swap3A_71, %swap3A_72] {strides = array<i32>} : memref<80x128xf32, #tpu.memory_space<vmem>>, vector<1x16xf32>,
      %swap3A_74 = vector.shape_cast %swap3A_73 : vector<1x16xf32> to vector<16xf32>
      %swap3A_75 = vector.shape_cast %broadcast_in_dim3A_1 : vector<16xf32> to vector<1x16xf32>
      tpu.vector_store %arg7[%swap3A_71, %swap3A_72], %swap3A_75 {strides = array<i32>} : memref<80x128xf32, #tpu.memory_space<vmem>>, vector<1x16xf32>,
      %scan3A_76 = arith.constant 0 : i32
      scf.yield %scan3A_76 : i32
    }
    %scan3A_9 = arith.constant 80 : i32
    %scan3A_10 = arith.constant 0 : i32
    %scan3A_11 = arith.constant 0 : i32
    %scan3A_12 = arith.constant 8 : i32
    %scan3A_13 = arith.addi %scan3A_11, %scan3A_12 : i32
    %scan3A_14 = arith.constant 1 : i32
    %scan3A_15 = scf.for %scan3A_35 = %scan3A_11 to %scan3A_13 step %scan3A_14 iter_args(%scan3A_36 = %scan3A_10) -> (i32)  : i32 {
      %mul3A_37 = arith.constant 640 : i32
      %mul3A_38 = arith.muli %arg1, %mul3A_37 : i32
      %mul3A_39 = arith.constant 80 : i32
      %mul3A_40 = arith.muli %scan3A_35, %mul3A_39 : i32
      %add3A_41 = arith.addi %mul3A_38, %mul3A_40 : i32
      "tpu.region"() ({
        %run_scoped3A_43 = tpu.sem_alloc : memref<!tpu.dma_semaphore, #tpu.memory_space<semaphore_mem>>
        %dma_start3A_44 = arith.constant 0 : i32
        %dma_start3A_45 = tpu.memref_slice %arg10[%add3A_41, %dma_start3A_44] : memref<10240x128xf32, #tpu.memory_space<vmem_shared>> -> memref<80x128xf32, #tpu.memory_space<vmem_shared>>
        %dma_start3A_46 = arith.constant 0 : i32
        %dma_start3A_47 = tpu.memref_slice %arg10[%add3A_41, %dma_start3A_46] : memref<10240x128xf32, #tpu.memory_space<vmem_shared>> -> memref<80x128xf32, #tpu.memory_space<vmem_shared>>
        tpu.enqueue_dma source(%arg7 : memref<80x128xf32, #tpu.memory_space<vmem>>) target(%dma_start3A_47 : memref<80x128xf32, #tpu.memory_space<vmem_shared>>) target_semaphore(%run_scoped3A_43 : memref<!tpu.dma_semaphore, #tpu.memory_space<semaphore_mem>>)
        %dma_wait3A_48 = arith.constant 0 : i32
        %dma_wait3A_49 = tpu.memref_slice %arg10[%add3A_41, %dma_wait3A_48] : memref<10240x128xf32, #tpu.memory_space<vmem_shared>> -> memref<80x128xf32, #tpu.memory_space<vmem_shared>>
        %dma_wait3A_50 = arith.constant 0 : i32
        %dma_wait3A_51 = tpu.memref_slice %arg10[%add3A_41, %dma_wait3A_50] : memref<10240x128xf32, #tpu.memory_space<vmem_shared>> -> memref<80x128xf32, #tpu.memory_space<vmem_shared>>
        tpu.wait_dma2 semaphore(%run_scoped3A_43 : memref<!tpu.dma_semaphore, #tpu.memory_space<semaphore_mem>>) src(%arg7 : memref<80x128xf32, #tpu.memory_space<vmem>>) dst(%dma_wait3A_51 : memref<80x128xf32, #tpu.memory_space<vmem_shared>>)
        tpu.yield
      }) : () -> ()
      %scan3A_42 = arith.constant 0 : i32
      scf.yield %scan3A_42 : i32
    }
    %scan3A_16 = arith.constant 8 : i32
    %barrier3A = arith.constant 0 : index
    tpu.barrier barrier_id(%barrier3A)
    %scan3A_17 = arith.constant 0 : i32
    %scan3A_18 = arith.constant 0 : i32
    %scan3A_19 = arith.constant 62 : i32
    %scan3A_20 = arith.addi %scan3A_18, %scan3A_19 : i32
    %scan3A_21 = arith.constant 1 : i32
    %scan3A_22 = scf.for %scan3A_35 = %scan3A_18 to %scan3A_20 step %scan3A_21 iter_args(%scan3A_36 = %scan3A_17) -> (i32)  : i32 {
      %mul3A_37 = arith.constant 2 : i32
      %mul3A_38 = arith.muli %scan3A_35, %mul3A_37 : i32
      %mul3A_39 = arith.constant 80 : i32
      %mul3A_40 = arith.muli %mul3A_38, %mul3A_39 : i32
      %dma_start3A_41 = tpu.memref_slice %arg8[%mul3A_40] : memref<10000xi32, #tpu.memory_space<vmem>> -> memref<80xi32, #tpu.memory_space<vmem>>
      %dma_start3A_42 = arith.constant 0 : i32
      %dma_start3A_43 = arith.constant 0 : i32
      %dma_start3A_44 = tpu.memref_slice %arg2[%dma_start3A_42, %dma_start3A_43] : memref<10000x128xf32, #tpu.memory_space<hbm>> -> memref<10000x128xf32, #tpu.memory_space<hbm>>
      tpu.enqueue_indirect_dma source(%dma_start3A_44 : memref<10000x128xf32, #tpu.memory_space<hbm>>) target(%arg6 : memref<80x128xf32, #tpu.memory_space<vmem>>) offsets(%dma_start3A_41 : memref<80xi32, #tpu.memory_space<vmem>>) semaphore(%arg11 : memref<!tpu.dma_semaphore, #tpu.memory_space<semaphore_mem>>)
      %add3A_45 = arith.constant 1 : i32
      %add3A_46 = arith.addi %mul3A_38, %add3A_45 : i32
      %mul3A_47 = arith.constant 80 : i32
      %mul3A_48 = arith.muli %add3A_46, %mul3A_47 : i32
      %dma_start3A_49 = tpu.memref_slice %arg8[%mul3A_48] : memref<10000xi32, #tpu.memory_space<vmem>> -> memref<80xi32, #tpu.memory_space<vmem>>
      %dma_start3A_50 = arith.constant 0 : i32
      %dma_start3A_51 = arith.constant 0 : i32
      %dma_start3A_52 = tpu.memref_slice %arg2[%dma_start3A_50, %dma_start3A_51] : memref<10000x128xf32, #tpu.memory_space<hbm>> -> memref<10000x128xf32, #tpu.memory_space<hbm>>
      tpu.enqueue_indirect_dma source(%dma_start3A_52 : memref<10000x128xf32, #tpu.memory_space<hbm>>) target(%arg7 : memref<80x128xf32, #tpu.memory_space<vmem>>) offsets(%dma_start3A_49 : memref<80xi32, #tpu.memory_space<vmem>>) semaphore(%arg12 : memref<!tpu.dma_semaphore, #tpu.memory_space<semaphore_mem>>)
      %dma_wait3A_53 = tpu.memref_slice %arg8[%mul3A_40] : memref<10000xi32, #tpu.memory_space<vmem>> -> memref<80xi32, #tpu.memory_space<vmem>>
      %dma_wait3A_54 = arith.constant 0 : i32
      %dma_wait3A_55 = arith.constant 0 : i32
      %dma_wait3A_56 = tpu.memref_slice %arg2[%dma_wait3A_54, %dma_wait3A_55] : memref<10000x128xf32, #tpu.memory_space<hbm>> -> memref<10000x128xf32, #tpu.memory_space<hbm>>
      tpu.wait_indirect_dma semaphore(%arg11 : memref<!tpu.dma_semaphore, #tpu.memory_space<semaphore_mem>>) src(%dma_wait3A_56 : memref<10000x128xf32, #tpu.memory_space<hbm>>) dst(%arg6 : memref<80x128xf32, #tpu.memory_space<vmem>>)
      "tpu.region"() ({
        %run_scoped3A_64 = tpu.sem_alloc : memref<!tpu.dma_semaphore, #tpu.memory_space<semaphore_mem>>
        %dma_start3A_65 = arith.constant 0 : i32
        %dma_start3A_66 = tpu.memref_slice %arg9[%mul3A_38, %dma_start3A_65] : memref<125x80xi32, #tpu.memory_space<vmem>> -> memref<1x80xi32, #tpu.memory_space<vmem>>
        %dma_start3A_67 = tpu.memref_squeeze %dma_start3A_66 : memref<1x80xi32, #tpu.memory_space<vmem>> -> memref<80xi32, #tpu.memory_space<vmem>>
        %dma_start3A_68 = arith.constant 0 : i32
        %dma_start3A_69 = arith.constant 0 : i32
        %dma_start3A_70 = tpu.memref_slice %arg10[%dma_start3A_68, %dma_start3A_69] : memref<10240x128xf32, #tpu.memory_space<vmem_shared>> -> memref<10240x128xf32, #tpu.memory_space<vmem_shared>>
        tpu.enqueue_indirect_dma source(%arg6 : memref<80x128xf32, #tpu.memory_space<vmem>>) target(%dma_start3A_70 : memref<10240x128xf32, #tpu.memory_space<vmem_shared>>) offsets(%dma_start3A_67 : memref<80xi32, #tpu.memory_space<vmem>>) semaphore(%run_scoped3A_64 : memref<!tpu.dma_semaphore, #tpu.memory_space<semaphore_mem>>) {add = true}
        %dma_wait3A_71 = arith.constant 0 : i32
        %dma_wait3A_72 = tpu.memref_slice %arg9[%mul3A_38, %dma_wait3A_71] : memref<125x80xi32, #tpu.memory_space<vmem>> -> memref<1x80xi32, #tpu.memory_space<vmem>>
        %dma_wait3A_73 = tpu.memref_squeeze %dma_wait3A_72 : memref<1x80xi32, #tpu.memory_space<vmem>> -> memref<80xi32, #tpu.memory_space<vmem>>
        %dma_wait3A_74 = arith.constant 0 : i32
        %dma_wait3A_75 = arith.constant 0 : i32
        %dma_wait3A_76 = tpu.memref_slice %arg10[%dma_wait3A_74, %dma_wait3A_75] : memref<10240x128xf32, #tpu.memory_space<vmem_shared>> -> memref<10240x128xf32, #tpu.memory_space<vmem_shared>>
        tpu.wait_indirect_dma semaphore(%run_scoped3A_64 : memref<!tpu.dma_semaphore, #tpu.memory_space<semaphore_mem>>) src(%arg6 : memref<80x128xf32, #tpu.memory_space<vmem>>) dst(%dma_wait3A_76 : memref<10240x128xf32, #tpu.memory_space<vmem_shared>>)
        tpu.yield
      }) : () -> ()
      %dma_wait3A_57 = tpu.memref_slice %arg8[%mul3A_48] : memref<10000xi32, #tpu.memory_space<vmem>> -> memref<80xi32, #tpu.memory_space<vmem>>
      %dma_wait3A_58 = arith.constant 0 : i32
      %dma_wait3A_59 = arith.constant 0 : i32
      %dma_wait3A_60 = tpu.memref_slice %arg2[%dma_wait3A_58, %dma_wait3A_59] : memref<10000x128xf32, #tpu.memory_space<hbm>> -> memref<10000x128xf32, #tpu.memory_space<hbm>>
      tpu.wait_indirect_dma semaphore(%arg12 : memref<!tpu.dma_semaphore, #tpu.memory_space<semaphore_mem>>) src(%dma_wait3A_60 : memref<10000x128xf32, #tpu.memory_space<hbm>>) dst(%arg7 : memref<80x128xf32, #tpu.memory_space<vmem>>)
      %add3A_61 = arith.constant 1 : i32
      %add3A_62 = arith.addi %mul3A_38, %add3A_61 : i32
      "tpu.region"() ({
        %run_scoped3A_64 = tpu.sem_alloc : memref<!tpu.dma_semaphore, #tpu.memory_space<semaphore_mem>>
        %dma_start3A_65 = arith.constant 0 : i32
        %dma_start3A_66 = tpu.memref_slice %arg9[%add3A_62, %dma_start3A_65] : memref<125x80xi32, #tpu.memory_space<vmem>> -> memref<1x80xi32, #tpu.memory_space<vmem>>
        %dma_start3A_67 = tpu.memref_squeeze %dma_start3A_66 : memref<1x80xi32, #tpu.memory_space<vmem>> -> memref<80xi32, #tpu.memory_space<vmem>>
        %dma_start3A_68 = arith.constant 0 : i32
        %dma_start3A_69 = arith.constant 0 : i32
        %dma_start3A_70 = tpu.memref_slice %arg10[%dma_start3A_68, %dma_start3A_69] : memref<10240x128xf32, #tpu.memory_space<vmem_shared>> -> memref<10240x128xf32, #tpu.memory_space<vmem_shared>>
        tpu.enqueue_indirect_dma source(%arg7 : memref<80x128xf32, #tpu.memory_space<vmem>>) target(%dma_start3A_70 : memref<10240x128xf32, #tpu.memory_space<vmem_shared>>) offsets(%dma_start3A_67 : memref<80xi32, #tpu.memory_space<vmem>>) semaphore(%run_scoped3A_64 : memref<!tpu.dma_semaphore, #tpu.memory_space<semaphore_mem>>) {add = true}
        %dma_wait3A_71 = arith.constant 0 : i32
        %dma_wait3A_72 = tpu.memref_slice %arg9[%add3A_62, %dma_wait3A_71] : memref<125x80xi32, #tpu.memory_space<vmem>> -> memref<1x80xi32, #tpu.memory_space<vmem>>
        %dma_wait3A_73 = tpu.memref_squeeze %dma_wait3A_72 : memref<1x80xi32, #tpu.memory_space<vmem>> -> memref<80xi32, #tpu.memory_space<vmem>>
        %dma_wait3A_74 = arith.constant 0 : i32
        %dma_wait3A_75 = arith.constant 0 : i32
        %dma_wait3A_76 = tpu.memref_slice %arg10[%dma_wait3A_74, %dma_wait3A_75] : memref<10240x128xf32, #tpu.memory_space<vmem_shared>> -> memref<10240x128xf32, #tpu.memory_space<vmem_shared>>
        tpu.wait_indirect_dma semaphore(%run_scoped3A_64 : memref<!tpu.dma_semaphore, #tpu.memory_space<semaphore_mem>>) src(%arg7 : memref<80x128xf32, #tpu.memory_space<vmem>>) dst(%dma_wait3A_76 : memref<10240x128xf32, #tpu.memory_space<vmem_shared>>)
        tpu.yield
      }) : () -> ()
      %scan3A_63 = arith.constant 0 : i32
      scf.yield %scan3A_63 : i32
    }
    %scan3A_23 = arith.constant 62 : i32
    %dma_start3A = arith.constant 9920 : i32
    %dma_start3A_24 = tpu.memref_slice %arg8[%dma_start3A] : memref<10000xi32, #tpu.memory_space<vmem>> -> memref<80xi32, #tpu.memory_space<vmem>>
    %dma_start3A_25 = arith.constant 0 : i32
    %dma_start3A_26 = arith.constant 0 : i32
    %dma_start3A_27 = tpu.memref_slice %arg2[%dma_start3A_25, %dma_start3A_26] : memref<10000x128xf32, #tpu.memory_space<hbm>> -> memref<10000x128xf32, #tpu.memory_space<hbm>>
    tpu.enqueue_indirect_dma source(%dma_start3A_27 : memref<10000x128xf32, #tpu.memory_space<hbm>>) target(%arg6 : memref<80x128xf32, #tpu.memory_space<vmem>>) offsets(%dma_start3A_24 : memref<80xi32, #tpu.memory_space<vmem>>) semaphore(%arg11 : memref<!tpu.dma_semaphore, #tpu.memory_space<semaphore_mem>>)
    %dma_wait3A = arith.constant 9920 : i32
    %dma_wait3A_28 = tpu.memref_slice %arg8[%dma_wait3A] : memref<10000xi32, #tpu.memory_space<vmem>> -> memref<80xi32, #tpu.memory_space<vmem>>
    %dma_wait3A_29 = arith.constant 0 : i32
    %dma_wait3A_30 = arith.constant 0 : i32
    %dma_wait3A_31 = tpu.memref_slice %arg2[%dma_wait3A_29, %dma_wait3A_30] : memref<10000x128xf32, #tpu.memory_space<hbm>> -> memref<10000x128xf32, #tpu.memory_space<hbm>>
    tpu.wait_indirect_dma semaphore(%arg11 : memref<!tpu.dma_semaphore, #tpu.memory_space<semaphore_mem>>) src(%dma_wait3A_31 : memref<10000x128xf32, #tpu.memory_space<hbm>>) dst(%arg6 : memref<80x128xf32, #tpu.memory_space<vmem>>)
    %run_scoped3A = arith.constant 124 : i32
    "tpu.region"() ({
      %run_scoped3A_35 = tpu.sem_alloc : memref<!tpu.dma_semaphore, #tpu.memory_space<semaphore_mem>>
      %dma_start3A_36 = arith.constant 0 : i32
      %dma_start3A_37 = tpu.memref_slice %arg9[%run_scoped3A, %dma_start3A_36] : memref<125x80xi32, #tpu.memory_space<vmem>> -> memref<1x80xi32, #tpu.memory_space<vmem>>
      %dma_start3A_38 = tpu.memref_squeeze %dma_start3A_37 : memref<1x80xi32, #tpu.memory_space<vmem>> -> memref<80xi32, #tpu.memory_space<vmem>>
      %dma_start3A_39 = arith.constant 0 : i32
      %dma_start3A_40 = arith.constant 0 : i32
      %dma_start3A_41 = tpu.memref_slice %arg10[%dma_start3A_39, %dma_start3A_40] : memref<10240x128xf32, #tpu.memory_space<vmem_shared>> -> memref<10240x128xf32, #tpu.memory_space<vmem_shared>>
      tpu.enqueue_indirect_dma source(%arg6 : memref<80x128xf32, #tpu.memory_space<vmem>>) target(%dma_start3A_41 : memref<10240x128xf32, #tpu.memory_space<vmem_shared>>) offsets(%dma_start3A_38 : memref<80xi32, #tpu.memory_space<vmem>>) semaphore(%run_scoped3A_35 : memref<!tpu.dma_semaphore, #tpu.memory_space<semaphore_mem>>) {add = true}
      %dma_wait3A_42 = arith.constant 0 : i32
      %dma_wait3A_43 = tpu.memref_slice %arg9[%run_scoped3A, %dma_wait3A_42] : memref<125x80xi32, #tpu.memory_space<vmem>> -> memref<1x80xi32, #tpu.memory_space<vmem>>
      %dma_wait3A_44 = tpu.memref_squeeze %dma_wait3A_43 : memref<1x80xi32, #tpu.memory_space<vmem>> -> memref<80xi32, #tpu.memory_space<vmem>>
      %dma_wait3A_45 = arith.constant 0 : i32
      %dma_wait3A_46 = arith.constant 0 : i32
      %dma_wait3A_47 = tpu.memref_slice %arg10[%dma_wait3A_45, %dma_wait3A_46] : memref<10240x128xf32, #tpu.memory_space<vmem_shared>> -> memref<10240x128xf32, #tpu.memory_space<vmem_shared>>
      tpu.wait_indirect_dma semaphore(%run_scoped3A_35 : memref<!tpu.dma_semaphore, #tpu.memory_space<semaphore_mem>>) src(%arg6 : memref<80x128xf32, #tpu.memory_space<vmem>>) dst(%dma_wait3A_47 : memref<10240x128xf32, #tpu.memory_space<vmem_shared>>)
      tpu.yield
    }) : () -> ()
    %barrier3A_32 = arith.constant 0 : index
    tpu.barrier barrier_id(%barrier3A_32)
    %mul3A_33 = arith.constant 640 : i32
    %mul3A_34 = arith.muli %arg1, %mul3A_33 : i32
    "tpu.region"() ({
      %run_scoped3A_35 = tpu.sem_alloc : memref<!tpu.dma_semaphore, #tpu.memory_space<semaphore_mem>>
      %dma_start3A_36 = arith.constant 0 : i32
      %dma_start3A_37 = tpu.memref_slice %arg5[%arg0, %mul3A_34, %dma_start3A_36] : memref<2x10240x128xf32, #tpu.memory_space<hbm>> -> memref<1x640x128xf32, #tpu.memory_space<hbm>>
      %dma_start3A_38 = tpu.memref_squeeze %dma_start3A_37 : memref<1x640x128xf32, #tpu.memory_space<hbm>> -> memref<640x128xf32, #tpu.memory_space<hbm>>
      %dma_start3A_39 = arith.constant 0 : i32
      %dma_start3A_40 = tpu.memref_slice %arg10[%mul3A_34, %dma_start3A_39] : memref<10240x128xf32, #tpu.memory_space<vmem_shared>> -> memref<640x128xf32, #tpu.memory_space<vmem_shared>>
      tpu.enqueue_dma source(%dma_start3A_40 : memref<640x128xf32, #tpu.memory_space<vmem_shared>>) target(%dma_start3A_38 : memref<640x128xf32, #tpu.memory_space<hbm>>) target_semaphore(%run_scoped3A_35 : memref<!tpu.dma_semaphore, #tpu.memory_space<semaphore_mem>>)
      %dma_wait3A_41 = arith.constant 0 : i32
      %dma_wait3A_42 = tpu.memref_slice %arg5[%arg0, %mul3A_34, %dma_wait3A_41] : memref<2x10240x128xf32, #tpu.memory_space<hbm>> -> memref<1x640x128xf32, #tpu.memory_space<hbm>>
      %dma_wait3A_43 = tpu.memref_squeeze %dma_wait3A_42 : memref<1x640x128xf32, #tpu.memory_space<hbm>> -> memref<640x128xf32, #tpu.memory_space<hbm>>
      %dma_wait3A_44 = arith.constant 0 : i32
      %dma_wait3A_45 = tpu.memref_slice %arg10[%mul3A_34, %dma_wait3A_44] : memref<10240x128xf32, #tpu.memory_space<vmem_shared>> -> memref<640x128xf32, #tpu.memory_space<vmem_shared>>
      tpu.wait_dma2 semaphore(%run_scoped3A_35 : memref<!tpu.dma_semaphore, #tpu.memory_space<semaphore_mem>>) src(%dma_wait3A_45 : memref<640x128xf32, #tpu.memory_space<vmem_shared>>) dst(%dma_wait3A_43 : memref<640x128xf32, #tpu.memory_space<hbm>>)
      tpu.yield
    }) : () -> ()
    return
  }
}

#map = affine_map<(d0, d1) -> (0)>
#map1 = affine_map<(d0, d1) -> (0, 0, 0)>
module attributes {stable_mosaic.version = 14 : i64} {
  func.func @_deg_body(%arg0: i32, %arg1: i32, %arg2: memref<320000xi32, #tpu.memory_space<hbm>>, %arg3: memref<320000xi32, #tpu.memory_space<hbm>>, %arg4: memref<2x10240x16xf32, #tpu.memory_space<hbm>>, %arg5: memref<2x10240x16xf32, #tpu.memory_space<hbm>>, %arg6: memref<80x16xf32, #tpu.memory_space<vmem>>, %arg7: memref<80xi32, #tpu.memory_space<vmem>>, %arg8: memref<80xi32, #tpu.memory_space<vmem>>, %arg9: memref<128x16xf32, #tpu.memory_space<vmem>>, %arg10: memref<10240x16xf32, #tpu.memory_space<vmem_shared>>, %arg11: memref<10240x16xf32, #tpu.memory_space<vmem_shared>>) attributes {dimension_semantics = [#tpu.dimension_semantics<core_parallel>, #tpu.dimension_semantics<subcore_parallel>], iteration_bounds = array<i64: 2, 16>, scalar_prefetch = 0 : i64, scratch_operands = 6 : i64, tpu.core_type = #tpu.core_type<sc_vector_subcore>, window_params = [{transform_indices = #map}, {transform_indices = #map}, {transform_indices = #map1}, {transform_indices = #map1}]} {
    %mul3A = arith.constant 16 : i32
    %mul3A_0 = arith.muli %arg0, %mul3A : i32
    %add3A = arith.addi %mul3A_0, %arg1 : i32
    %mul3A_1 = arith.constant 10000 : i32
    %mul3A_2 = arith.muli %add3A, %mul3A_1 : i32
    %broadcast_in_dim3A = arith.constant 1.000000e+00 : f32
    %broadcast_in_dim3A_3 = vector.broadcast %broadcast_in_dim3A : f32 to vector<16xf32>
    %broadcast_in_dim3A_4 = arith.constant 0.000000e+00 : f32
    %broadcast_in_dim3A_5 = vector.broadcast %broadcast_in_dim3A_4 : f32 to vector<16xf32>
    %scan3A = arith.constant 0 : i32
    %scan3A_6 = arith.constant 0 : i32
    %scan3A_7 = arith.constant 80 : i32
    %scan3A_8 = arith.addi %scan3A_6, %scan3A_7 : i32
    %scan3A_9 = arith.constant 1 : i32
    %scan3A_10 = scf.for %scan3A_36 = %scan3A_6 to %scan3A_8 step %scan3A_9 iter_args(%scan3A_37 = %scan3A) -> (i32)  : i32 {
      %swap3A = arith.index_cast %scan3A_36 : i32 to index
      %swap3A_38 = arith.constant 0 : index
      %swap3A_39 = tpu.vector_load %arg6[%swap3A, %swap3A_38] {strides = array<i32>} : memref<80x16xf32, #tpu.memory_space<vmem>>, vector<1x16xf32>,
      %swap3A_40 = vector.shape_cast %swap3A_39 : vector<1x16xf32> to vector<16xf32>
      %swap3A_41 = vector.shape_cast %broadcast_in_dim3A_3 : vector<16xf32> to vector<1x16xf32>
      tpu.vector_store %arg6[%swap3A, %swap3A_38], %swap3A_41 {strides = array<i32>} : memref<80x16xf32, #tpu.memory_space<vmem>>, vector<1x16xf32>,
      %scan3A_42 = arith.constant 0 : i32
      scf.yield %scan3A_42 : i32
    }
    %scan3A_11 = arith.constant 80 : i32
    %scan3A_12 = arith.constant 0 : i32
    %scan3A_13 = arith.constant 0 : i32
    %scan3A_14 = arith.constant 128 : i32
    %scan3A_15 = arith.addi %scan3A_13, %scan3A_14 : i32
    %scan3A_16 = arith.constant 1 : i32
    %scan3A_17 = scf.for %scan3A_36 = %scan3A_13 to %scan3A_15 step %scan3A_16 iter_args(%scan3A_37 = %scan3A_12) -> (i32)  : i32 {
      %swap3A = arith.index_cast %scan3A_36 : i32 to index
      %swap3A_38 = arith.constant 0 : index
      %swap3A_39 = tpu.vector_load %arg9[%swap3A, %swap3A_38] {strides = array<i32>} : memref<128x16xf32, #tpu.memory_space<vmem>>, vector<1x16xf32>,
      %swap3A_40 = vector.shape_cast %swap3A_39 : vector<1x16xf32> to vector<16xf32>
      %swap3A_41 = vector.shape_cast %broadcast_in_dim3A_5 : vector<16xf32> to vector<1x16xf32>
      tpu.vector_store %arg9[%swap3A, %swap3A_38], %swap3A_41 {strides = array<i32>} : memref<128x16xf32, #tpu.memory_space<vmem>>, vector<1x16xf32>,
      %scan3A_42 = arith.constant 0 : i32
      scf.yield %scan3A_42 : i32
    }
    %scan3A_18 = arith.constant 128 : i32
    %scan3A_19 = arith.constant 0 : i32
    %scan3A_20 = arith.constant 0 : i32
    %scan3A_21 = arith.constant 5 : i32
    %scan3A_22 = arith.addi %scan3A_20, %scan3A_21 : i32
    %scan3A_23 = arith.constant 1 : i32
    %scan3A_24 = scf.for %scan3A_36 = %scan3A_20 to %scan3A_22 step %scan3A_23 iter_args(%scan3A_37 = %scan3A_19) -> (i32)  : i32 {
      %mul3A_38 = arith.constant 640 : i32
      %mul3A_39 = arith.muli %arg1, %mul3A_38 : i32
      %mul3A_40 = arith.constant 128 : i32
      %mul3A_41 = arith.muli %scan3A_36, %mul3A_40 : i32
      %add3A_42 = arith.addi %mul3A_39, %mul3A_41 : i32
      "tpu.region"() ({
        %run_scoped3A = tpu.sem_alloc : memref<!tpu.dma_semaphore, #tpu.memory_space<semaphore_mem>>
        %dma_start3A = arith.constant 0 : i32
        %dma_start3A_44 = tpu.memref_slice %arg10[%add3A_42, %dma_start3A] : memref<10240x16xf32, #tpu.memory_space<vmem_shared>> -> memref<128x16xf32, #tpu.memory_space<vmem_shared>>
        %dma_start3A_45 = arith.constant 0 : i32
        %dma_start3A_46 = tpu.memref_slice %arg10[%add3A_42, %dma_start3A_45] : memref<10240x16xf32, #tpu.memory_space<vmem_shared>> -> memref<128x16xf32, #tpu.memory_space<vmem_shared>>
        tpu.enqueue_dma source(%arg9 : memref<128x16xf32, #tpu.memory_space<vmem>>) target(%dma_start3A_46 : memref<128x16xf32, #tpu.memory_space<vmem_shared>>) target_semaphore(%run_scoped3A : memref<!tpu.dma_semaphore, #tpu.memory_space<semaphore_mem>>)
        %dma_wait3A = arith.constant 0 : i32
        %dma_wait3A_47 = tpu.memref_slice %arg10[%add3A_42, %dma_wait3A] : memref<10240x16xf32, #tpu.memory_space<vmem_shared>> -> memref<128x16xf32, #tpu.memory_space<vmem_shared>>
        %dma_wait3A_48 = arith.constant 0 : i32
        %dma_wait3A_49 = tpu.memref_slice %arg10[%add3A_42, %dma_wait3A_48] : memref<10240x16xf32, #tpu.memory_space<vmem_shared>> -> memref<128x16xf32, #tpu.memory_space<vmem_shared>>
        tpu.wait_dma2 semaphore(%run_scoped3A : memref<!tpu.dma_semaphore, #tpu.memory_space<semaphore_mem>>) src(%arg9 : memref<128x16xf32, #tpu.memory_space<vmem>>) dst(%dma_wait3A_49 : memref<128x16xf32, #tpu.memory_space<vmem_shared>>)
        tpu.yield
      }) : () -> ()
      "tpu.region"() ({
        %run_scoped3A = tpu.sem_alloc : memref<!tpu.dma_semaphore, #tpu.memory_space<semaphore_mem>>
        %dma_start3A = arith.constant 0 : i32
        %dma_start3A_44 = tpu.memref_slice %arg11[%add3A_42, %dma_start3A] : memref<10240x16xf32, #tpu.memory_space<vmem_shared>> -> memref<128x16xf32, #tpu.memory_space<vmem_shared>>
        %dma_start3A_45 = arith.constant 0 : i32
        %dma_start3A_46 = tpu.memref_slice %arg11[%add3A_42, %dma_start3A_45] : memref<10240x16xf32, #tpu.memory_space<vmem_shared>> -> memref<128x16xf32, #tpu.memory_space<vmem_shared>>
        tpu.enqueue_dma source(%arg9 : memref<128x16xf32, #tpu.memory_space<vmem>>) target(%dma_start3A_46 : memref<128x16xf32, #tpu.memory_space<vmem_shared>>) target_semaphore(%run_scoped3A : memref<!tpu.dma_semaphore, #tpu.memory_space<semaphore_mem>>)
        %dma_wait3A = arith.constant 0 : i32
        %dma_wait3A_47 = tpu.memref_slice %arg11[%add3A_42, %dma_wait3A] : memref<10240x16xf32, #tpu.memory_space<vmem_shared>> -> memref<128x16xf32, #tpu.memory_space<vmem_shared>>
        %dma_wait3A_48 = arith.constant 0 : i32
        %dma_wait3A_49 = tpu.memref_slice %arg11[%add3A_42, %dma_wait3A_48] : memref<10240x16xf32, #tpu.memory_space<vmem_shared>> -> memref<128x16xf32, #tpu.memory_space<vmem_shared>>
        tpu.wait_dma2 semaphore(%run_scoped3A : memref<!tpu.dma_semaphore, #tpu.memory_space<semaphore_mem>>) src(%arg9 : memref<128x16xf32, #tpu.memory_space<vmem>>) dst(%dma_wait3A_49 : memref<128x16xf32, #tpu.memory_space<vmem_shared>>)
        tpu.yield
      }) : () -> ()
      %scan3A_43 = arith.constant 0 : i32
      scf.yield %scan3A_43 : i32
    }
    %scan3A_25 = arith.constant 5 : i32
    %barrier3A = arith.constant 0 : index
    tpu.barrier barrier_id(%barrier3A)
    %scan3A_26 = arith.constant 0 : i32
    %scan3A_27 = arith.constant 0 : i32
    %scan3A_28 = arith.constant 125 : i32
    %scan3A_29 = arith.addi %scan3A_27, %scan3A_28 : i32
    %scan3A_30 = arith.constant 1 : i32
    %scan3A_31 = scf.for %scan3A_36 = %scan3A_27 to %scan3A_29 step %scan3A_30 iter_args(%scan3A_37 = %scan3A_26) -> (i32)  : i32 {
      %mul3A_38 = arith.constant 80 : i32
      %mul3A_39 = arith.muli %scan3A_36, %mul3A_38 : i32
      %add3A_40 = arith.addi %mul3A_2, %mul3A_39 : i32
      "tpu.region"() ({
        %run_scoped3A = tpu.sem_alloc : memref<!tpu.dma_semaphore, #tpu.memory_space<semaphore_mem>>
        %dma_start3A = tpu.memref_slice %arg2[%add3A_40] : memref<320000xi32, #tpu.memory_space<hbm>> -> memref<80xi32, #tpu.memory_space<hbm>>
        %dma_start3A_42 = tpu.memref_slice %arg2[%add3A_40] : memref<320000xi32, #tpu.memory_space<hbm>> -> memref<80xi32, #tpu.memory_space<hbm>>
        tpu.enqueue_dma source(%dma_start3A_42 : memref<80xi32, #tpu.memory_space<hbm>>) target(%arg7 : memref<80xi32, #tpu.memory_space<vmem>>) target_semaphore(%run_scoped3A : memref<!tpu.dma_semaphore, #tpu.memory_space<semaphore_mem>>)
        %dma_wait3A = tpu.memref_slice %arg2[%add3A_40] : memref<320000xi32, #tpu.memory_space<hbm>> -> memref<80xi32, #tpu.memory_space<hbm>>
        %dma_wait3A_43 = tpu.memref_slice %arg2[%add3A_40] : memref<320000xi32, #tpu.memory_space<hbm>> -> memref<80xi32, #tpu.memory_space<hbm>>
        tpu.wait_dma2 semaphore(%run_scoped3A : memref<!tpu.dma_semaphore, #tpu.memory_space<semaphore_mem>>) src(%dma_wait3A_43 : memref<80xi32, #tpu.memory_space<hbm>>) dst(%arg7 : memref<80xi32, #tpu.memory_space<vmem>>)
        tpu.yield
      }) : () -> ()
      "tpu.region"() ({
        %run_scoped3A = tpu.sem_alloc : memref<!tpu.dma_semaphore, #tpu.memory_space<semaphore_mem>>
        %dma_start3A = tpu.memref_slice %arg3[%add3A_40] : memref<320000xi32, #tpu.memory_space<hbm>> -> memref<80xi32, #tpu.memory_space<hbm>>
        %dma_start3A_42 = tpu.memref_slice %arg3[%add3A_40] : memref<320000xi32, #tpu.memory_space<hbm>> -> memref<80xi32, #tpu.memory_space<hbm>>
        tpu.enqueue_dma source(%dma_start3A_42 : memref<80xi32, #tpu.memory_space<hbm>>) target(%arg8 : memref<80xi32, #tpu.memory_space<vmem>>) target_semaphore(%run_scoped3A : memref<!tpu.dma_semaphore, #tpu.memory_space<semaphore_mem>>)
        %dma_wait3A = tpu.memref_slice %arg3[%add3A_40] : memref<320000xi32, #tpu.memory_space<hbm>> -> memref<80xi32, #tpu.memory_space<hbm>>
        %dma_wait3A_43 = tpu.memref_slice %arg3[%add3A_40] : memref<320000xi32, #tpu.memory_space<hbm>> -> memref<80xi32, #tpu.memory_space<hbm>>
        tpu.wait_dma2 semaphore(%run_scoped3A : memref<!tpu.dma_semaphore, #tpu.memory_space<semaphore_mem>>) src(%dma_wait3A_43 : memref<80xi32, #tpu.memory_space<hbm>>) dst(%arg8 : memref<80xi32, #tpu.memory_space<vmem>>)
        tpu.yield
      }) : () -> ()
      "tpu.region"() ({
        %run_scoped3A = tpu.sem_alloc : memref<!tpu.dma_semaphore, #tpu.memory_space<semaphore_mem>>
        %dma_start3A = arith.constant 0 : i32
        %dma_start3A_42 = arith.constant 0 : i32
        %dma_start3A_43 = tpu.memref_slice %arg10[%dma_start3A, %dma_start3A_42] : memref<10240x16xf32, #tpu.memory_space<vmem_shared>> -> memref<10240x16xf32, #tpu.memory_space<vmem_shared>>
        tpu.enqueue_indirect_dma source(%arg6 : memref<80x16xf32, #tpu.memory_space<vmem>>) target(%dma_start3A_43 : memref<10240x16xf32, #tpu.memory_space<vmem_shared>>) offsets(%arg7 : memref<80xi32, #tpu.memory_space<vmem>>) semaphore(%run_scoped3A : memref<!tpu.dma_semaphore, #tpu.memory_space<semaphore_mem>>) {add = true}
        %dma_wait3A = arith.constant 0 : i32
        %dma_wait3A_44 = arith.constant 0 : i32
        %dma_wait3A_45 = tpu.memref_slice %arg10[%dma_wait3A, %dma_wait3A_44] : memref<10240x16xf32, #tpu.memory_space<vmem_shared>> -> memref<10240x16xf32, #tpu.memory_space<vmem_shared>>
        tpu.wait_indirect_dma semaphore(%run_scoped3A : memref<!tpu.dma_semaphore, #tpu.memory_space<semaphore_mem>>) src(%arg6 : memref<80x16xf32, #tpu.memory_space<vmem>>) dst(%dma_wait3A_45 : memref<10240x16xf32, #tpu.memory_space<vmem_shared>>)
        tpu.yield
      }) : () -> ()
      "tpu.region"() ({
        %run_scoped3A = tpu.sem_alloc : memref<!tpu.dma_semaphore, #tpu.memory_space<semaphore_mem>>
        %dma_start3A = arith.constant 0 : i32
        %dma_start3A_42 = arith.constant 0 : i32
        %dma_start3A_43 = tpu.memref_slice %arg11[%dma_start3A, %dma_start3A_42] : memref<10240x16xf32, #tpu.memory_space<vmem_shared>> -> memref<10240x16xf32, #tpu.memory_space<vmem_shared>>
        tpu.enqueue_indirect_dma source(%arg6 : memref<80x16xf32, #tpu.memory_space<vmem>>) target(%dma_start3A_43 : memref<10240x16xf32, #tpu.memory_space<vmem_shared>>) offsets(%arg8 : memref<80xi32, #tpu.memory_space<vmem>>) semaphore(%run_scoped3A : memref<!tpu.dma_semaphore, #tpu.memory_space<semaphore_mem>>) {add = true}
        %dma_wait3A = arith.constant 0 : i32
        %dma_wait3A_44 = arith.constant 0 : i32
        %dma_wait3A_45 = tpu.memref_slice %arg11[%dma_wait3A, %dma_wait3A_44] : memref<10240x16xf32, #tpu.memory_space<vmem_shared>> -> memref<10240x16xf32, #tpu.memory_space<vmem_shared>>
        tpu.wait_indirect_dma semaphore(%run_scoped3A : memref<!tpu.dma_semaphore, #tpu.memory_space<semaphore_mem>>) src(%arg6 : memref<80x16xf32, #tpu.memory_space<vmem>>) dst(%dma_wait3A_45 : memref<10240x16xf32, #tpu.memory_space<vmem_shared>>)
        tpu.yield
      }) : () -> ()
      %scan3A_41 = arith.constant 0 : i32
      scf.yield %scan3A_41 : i32
    }
    %scan3A_32 = arith.constant 125 : i32
    %barrier3A_33 = arith.constant 0 : index
    tpu.barrier barrier_id(%barrier3A_33)
    %mul3A_34 = arith.constant 640 : i32
    %mul3A_35 = arith.muli %arg1, %mul3A_34 : i32
    "tpu.region"() ({
      %run_scoped3A = tpu.sem_alloc : memref<!tpu.dma_semaphore, #tpu.memory_space<semaphore_mem>>
      %dma_start3A = arith.constant 0 : i32
      %dma_start3A_36 = tpu.memref_slice %arg4[%arg0, %mul3A_35, %dma_start3A] : memref<2x10240x16xf32, #tpu.memory_space<hbm>> -> memref<1x640x16xf32, #tpu.memory_space<hbm>>
      %dma_start3A_37 = tpu.memref_squeeze %dma_start3A_36 : memref<1x640x16xf32, #tpu.memory_space<hbm>> -> memref<640x16xf32, #tpu.memory_space<hbm>>
      %dma_start3A_38 = arith.constant 0 : i32
      %dma_start3A_39 = tpu.memref_slice %arg10[%mul3A_35, %dma_start3A_38] : memref<10240x16xf32, #tpu.memory_space<vmem_shared>> -> memref<640x16xf32, #tpu.memory_space<vmem_shared>>
      tpu.enqueue_dma source(%dma_start3A_39 : memref<640x16xf32, #tpu.memory_space<vmem_shared>>) target(%dma_start3A_37 : memref<640x16xf32, #tpu.memory_space<hbm>>) target_semaphore(%run_scoped3A : memref<!tpu.dma_semaphore, #tpu.memory_space<semaphore_mem>>)
      %dma_wait3A = arith.constant 0 : i32
      %dma_wait3A_40 = tpu.memref_slice %arg4[%arg0, %mul3A_35, %dma_wait3A] : memref<2x10240x16xf32, #tpu.memory_space<hbm>> -> memref<1x640x16xf32, #tpu.memory_space<hbm>>
      %dma_wait3A_41 = tpu.memref_squeeze %dma_wait3A_40 : memref<1x640x16xf32, #tpu.memory_space<hbm>> -> memref<640x16xf32, #tpu.memory_space<hbm>>
      %dma_wait3A_42 = arith.constant 0 : i32
      %dma_wait3A_43 = tpu.memref_slice %arg10[%mul3A_35, %dma_wait3A_42] : memref<10240x16xf32, #tpu.memory_space<vmem_shared>> -> memref<640x16xf32, #tpu.memory_space<vmem_shared>>
      tpu.wait_dma2 semaphore(%run_scoped3A : memref<!tpu.dma_semaphore, #tpu.memory_space<semaphore_mem>>) src(%dma_wait3A_43 : memref<640x16xf32, #tpu.memory_space<vmem_shared>>) dst(%dma_wait3A_41 : memref<640x16xf32, #tpu.memory_space<hbm>>)
      tpu.yield
    }) : () -> ()
    "tpu.region"() ({
      %run_scoped3A = tpu.sem_alloc : memref<!tpu.dma_semaphore, #tpu.memory_space<semaphore_mem>>
      %dma_start3A = arith.constant 0 : i32
      %dma_start3A_36 = tpu.memref_slice %arg5[%arg0, %mul3A_35, %dma_start3A] : memref<2x10240x16xf32, #tpu.memory_space<hbm>> -> memref<1x640x16xf32, #tpu.memory_space<hbm>>
      %dma_start3A_37 = tpu.memref_squeeze %dma_start3A_36 : memref<1x640x16xf32, #tpu.memory_space<hbm>> -> memref<640x16xf32, #tpu.memory_space<hbm>>
      %dma_start3A_38 = arith.constant 0 : i32
      %dma_start3A_39 = tpu.memref_slice %arg11[%mul3A_35, %dma_start3A_38] : memref<10240x16xf32, #tpu.memory_space<vmem_shared>> -> memref<640x16xf32, #tpu.memory_space<vmem_shared>>
      tpu.enqueue_dma source(%dma_start3A_39 : memref<640x16xf32, #tpu.memory_space<vmem_shared>>) target(%dma_start3A_37 : memref<640x16xf32, #tpu.memory_space<hbm>>) target_semaphore(%run_scoped3A : memref<!tpu.dma_semaphore, #tpu.memory_space<semaphore_mem>>)
      %dma_wait3A = arith.constant 0 : i32
      %dma_wait3A_40 = tpu.memref_slice %arg5[%arg0, %mul3A_35, %dma_wait3A] : memref<2x10240x16xf32, #tpu.memory_space<hbm>> -> memref<1x640x16xf32, #tpu.memory_space<hbm>>
      %dma_wait3A_41 = tpu.memref_squeeze %dma_wait3A_40 : memref<1x640x16xf32, #tpu.memory_space<hbm>> -> memref<640x16xf32, #tpu.memory_space<hbm>>
      %dma_wait3A_42 = arith.constant 0 : i32
      %dma_wait3A_43 = tpu.memref_slice %arg11[%mul3A_35, %dma_wait3A_42] : memref<10240x16xf32, #tpu.memory_space<vmem_shared>> -> memref<640x16xf32, #tpu.memory_space<vmem_shared>>
      tpu.wait_dma2 semaphore(%run_scoped3A : memref<!tpu.dma_semaphore, #tpu.memory_space<semaphore_mem>>) src(%dma_wait3A_43 : memref<640x16xf32, #tpu.memory_space<vmem_shared>>) dst(%dma_wait3A_41 : memref<640x16xf32, #tpu.memory_space<hbm>>)
      tpu.yield
    }) : () -> ()
    return
  }
}

#map = affine_map<(d0, d1) -> (0, 0)>
#map1 = affine_map<(d0, d1) -> (0)>
#map2 = affine_map<(d0, d1) -> (0, 0, 0)>
module attributes {stable_mosaic.version = 14 : i64} {
  func.func @_agg_body(%arg0: i32, %arg1: i32, %arg2: memref<10000x128xf32, #tpu.memory_space<hbm>>, %arg3: memref<320000xi32, #tpu.memory_space<hbm>>, %arg4: memref<32x125x80xi32, #tpu.memory_space<hbm>>, %arg5: memref<2x10240x128xf32, #tpu.memory_space<hbm>>, %arg6: memref<80x128xf32, #tpu.memory_space<vmem>>, %arg7: memref<80x128xf32, #tpu.memory_space<vmem>>, %arg8: memref<10000xi32, #tpu.memory_space<vmem>>, %arg9: memref<125x80xi32, #tpu.memory_space<vmem>>, %arg10: memref<10240x128xf32, #tpu.memory_space<vmem_shared>>, %arg11: memref<!tpu.dma_semaphore, #tpu.memory_space<semaphore_mem>>, %arg12: memref<!tpu.dma_semaphore, #tpu.memory_space<semaphore_mem>>) attributes {dimension_semantics = [#tpu.dimension_semantics<core_parallel>, #tpu.dimension_semantics<subcore_parallel>], iteration_bounds = array<i64: 2, 16>, scalar_prefetch = 0 : i64, scratch_operands = 7 : i64, tpu.core_type = #tpu.core_type<sc_vector_subcore>, window_params = [{transform_indices = #map}, {transform_indices = #map1}, {transform_indices = #map2}, {transform_indices = #map2}]} {
    %mul3A = arith.constant 16 : i32
    %mul3A_0 = arith.muli %arg0, %mul3A : i32
    %add3A = arith.addi %mul3A_0, %arg1 : i32
    %broadcast_in_dim3A = arith.constant 0.000000e+00 : f32
    %broadcast_in_dim3A_1 = vector.broadcast %broadcast_in_dim3A : f32 to vector<16xf32>
    %mul3A_2 = arith.constant 10000 : i32
    %mul3A_3 = arith.muli %add3A, %mul3A_2 : i32
    "tpu.region"() ({
      %run_scoped3A_35 = tpu.sem_alloc : memref<!tpu.dma_semaphore, #tpu.memory_space<semaphore_mem>>
      %dma_start3A_36 = tpu.memref_slice %arg3[%mul3A_3] : memref<320000xi32, #tpu.memory_space<hbm>> -> memref<10000xi32, #tpu.memory_space<hbm>>
      %dma_start3A_37 = tpu.memref_slice %arg3[%mul3A_3] : memref<320000xi32, #tpu.memory_space<hbm>> -> memref<10000xi32, #tpu.memory_space<hbm>>
      tpu.enqueue_dma source(%dma_start3A_37 : memref<10000xi32, #tpu.memory_space<hbm>>) target(%arg8 : memref<10000xi32, #tpu.memory_space<vmem>>) target_semaphore(%run_scoped3A_35 : memref<!tpu.dma_semaphore, #tpu.memory_space<semaphore_mem>>)
      %dma_wait3A_38 = tpu.memref_slice %arg3[%mul3A_3] : memref<320000xi32, #tpu.memory_space<hbm>> -> memref<10000xi32, #tpu.memory_space<hbm>>
      %dma_wait3A_39 = tpu.memref_slice %arg3[%mul3A_3] : memref<320000xi32, #tpu.memory_space<hbm>> -> memref<10000xi32, #tpu.memory_space<hbm>>
      tpu.wait_dma2 semaphore(%run_scoped3A_35 : memref<!tpu.dma_semaphore, #tpu.memory_space<semaphore_mem>>) src(%dma_wait3A_39 : memref<10000xi32, #tpu.memory_space<hbm>>) dst(%arg8 : memref<10000xi32, #tpu.memory_space<vmem>>)
      tpu.yield
    }) : () -> ()
    "tpu.region"() ({
      %run_scoped3A_35 = tpu.sem_alloc : memref<!tpu.dma_semaphore, #tpu.memory_space<semaphore_mem>>
      %dma_start3A_36 = arith.constant 0 : i32
      %dma_start3A_37 = arith.constant 0 : i32
      %dma_start3A_38 = tpu.memref_slice %arg4[%add3A, %dma_start3A_36, %dma_start3A_37] : memref<32x125x80xi32, #tpu.memory_space<hbm>> -> memref<1x125x80xi32, #tpu.memory_space<hbm>>
      %dma_start3A_39 = tpu.memref_squeeze %dma_start3A_38 : memref<1x125x80xi32, #tpu.memory_space<hbm>> -> memref<125x80xi32, #tpu.memory_space<hbm>>
      %dma_start3A_40 = arith.constant 0 : i32
      %dma_start3A_41 = arith.constant 0 : i32
      %dma_start3A_42 = tpu.memref_slice %arg4[%add3A, %dma_start3A_40, %dma_start3A_41] : memref<32x125x80xi32, #tpu.memory_space<hbm>> -> memref<1x125x80xi32, #tpu.memory_space<hbm>>
      %dma_start3A_43 = tpu.memref_squeeze %dma_start3A_42 : memref<1x125x80xi32, #tpu.memory_space<hbm>> -> memref<125x80xi32, #tpu.memory_space<hbm>>
      tpu.enqueue_dma source(%dma_start3A_43 : memref<125x80xi32, #tpu.memory_space<hbm>>) target(%arg9 : memref<125x80xi32, #tpu.memory_space<vmem>>) target_semaphore(%run_scoped3A_35 : memref<!tpu.dma_semaphore, #tpu.memory_space<semaphore_mem>>)
      %dma_wait3A_44 = arith.constant 0 : i32
      %dma_wait3A_45 = arith.constant 0 : i32
      %dma_wait3A_46 = tpu.memref_slice %arg4[%add3A, %dma_wait3A_44, %dma_wait3A_45] : memref<32x125x80xi32, #tpu.memory_space<hbm>> -> memref<1x125x80xi32, #tpu.memory_space<hbm>>
      %dma_wait3A_47 = tpu.memref_squeeze %dma_wait3A_46 : memref<1x125x80xi32, #tpu.memory_space<hbm>> -> memref<125x80xi32, #tpu.memory_space<hbm>>
      %dma_wait3A_48 = arith.constant 0 : i32
      %dma_wait3A_49 = arith.constant 0 : i32
      %dma_wait3A_50 = tpu.memref_slice %arg4[%add3A, %dma_wait3A_48, %dma_wait3A_49] : memref<32x125x80xi32, #tpu.memory_space<hbm>> -> memref<1x125x80xi32, #tpu.memory_space<hbm>>
      %dma_wait3A_51 = tpu.memref_squeeze %dma_wait3A_50 : memref<1x125x80xi32, #tpu.memory_space<hbm>> -> memref<125x80xi32, #tpu.memory_space<hbm>>
      tpu.wait_dma2 semaphore(%run_scoped3A_35 : memref<!tpu.dma_semaphore, #tpu.memory_space<semaphore_mem>>) src(%dma_wait3A_51 : memref<125x80xi32, #tpu.memory_space<hbm>>) dst(%arg9 : memref<125x80xi32, #tpu.memory_space<vmem>>)
      tpu.yield
    }) : () -> ()
    %scan3A = arith.constant 0 : i32
    %scan3A_4 = arith.constant 0 : i32
    %scan3A_5 = arith.constant 80 : i32
    %scan3A_6 = arith.addi %scan3A_4, %scan3A_5 : i32
    %scan3A_7 = arith.constant 1 : i32
    %scan3A_8 = scf.for %scan3A_35 = %scan3A_4 to %scan3A_6 step %scan3A_7 iter_args(%scan3A_36 = %scan3A) -> (i32)  : i32 {
      %swap3A = arith.index_cast %scan3A_35 : i32 to index
      %swap3A_37 = arith.constant 0 : index
      %swap3A_38 = tpu.vector_load %arg7[%swap3A, %swap3A_37] {strides = array<i32>} : memref<80x128xf32, #tpu.memory_space<vmem>>, vector<1x16xf32>,
      %swap3A_39 = vector.shape_cast %swap3A_38 : vector<1x16xf32> to vector<16xf32>
      %swap3A_40 = vector.shape_cast %broadcast_in_dim3A_1 : vector<16xf32> to vector<1x16xf32>
      tpu.vector_store %arg7[%swap3A, %swap3A_37], %swap3A_40 {strides = array<i32>} : memref<80x128xf32, #tpu.memory_space<vmem>>, vector<1x16xf32>,
      %swap3A_41 = arith.index_cast %scan3A_35 : i32 to index
      %swap3A_42 = arith.constant 16 : index
      %swap3A_43 = tpu.vector_load %arg7[%swap3A_41, %swap3A_42] {strides = array<i32>} : memref<80x128xf32, #tpu.memory_space<vmem>>, vector<1x16xf32>,
      %swap3A_44 = vector.shape_cast %swap3A_43 : vector<1x16xf32> to vector<16xf32>
      %swap3A_45 = vector.shape_cast %broadcast_in_dim3A_1 : vector<16xf32> to vector<1x16xf32>
      tpu.vector_store %arg7[%swap3A_41, %swap3A_42], %swap3A_45 {strides = array<i32>} : memref<80x128xf32, #tpu.memory_space<vmem>>, vector<1x16xf32>,
      %swap3A_46 = arith.index_cast %scan3A_35 : i32 to index
      %swap3A_47 = arith.constant 32 : index
      %swap3A_48 = tpu.vector_load %arg7[%swap3A_46, %swap3A_47] {strides = array<i32>} : memref<80x128xf32, #tpu.memory_space<vmem>>, vector<1x16xf32>,
      %swap3A_49 = vector.shape_cast %swap3A_48 : vector<1x16xf32> to vector<16xf32>
      %swap3A_50 = vector.shape_cast %broadcast_in_dim3A_1 : vector<16xf32> to vector<1x16xf32>
      tpu.vector_store %arg7[%swap3A_46, %swap3A_47], %swap3A_50 {strides = array<i32>} : memref<80x128xf32, #tpu.memory_space<vmem>>, vector<1x16xf32>,
      %swap3A_51 = arith.index_cast %scan3A_35 : i32 to index
      %swap3A_52 = arith.constant 48 : index
      %swap3A_53 = tpu.vector_load %arg7[%swap3A_51, %swap3A_52] {strides = array<i32>} : memref<80x128xf32, #tpu.memory_space<vmem>>, vector<1x16xf32>,
      %swap3A_54 = vector.shape_cast %swap3A_53 : vector<1x16xf32> to vector<16xf32>
      %swap3A_55 = vector.shape_cast %broadcast_in_dim3A_1 : vector<16xf32> to vector<1x16xf32>
      tpu.vector_store %arg7[%swap3A_51, %swap3A_52], %swap3A_55 {strides = array<i32>} : memref<80x128xf32, #tpu.memory_space<vmem>>, vector<1x16xf32>,
      %swap3A_56 = arith.index_cast %scan3A_35 : i32 to index
      %swap3A_57 = arith.constant 64 : index
      %swap3A_58 = tpu.vector_load %arg7[%swap3A_56, %swap3A_57] {strides = array<i32>} : memref<80x128xf32, #tpu.memory_space<vmem>>, vector<1x16xf32>,
      %swap3A_59 = vector.shape_cast %swap3A_58 : vector<1x16xf32> to vector<16xf32>
      %swap3A_60 = vector.shape_cast %broadcast_in_dim3A_1 : vector<16xf32> to vector<1x16xf32>
      tpu.vector_store %arg7[%swap3A_56, %swap3A_57], %swap3A_60 {strides = array<i32>} : memref<80x128xf32, #tpu.memory_space<vmem>>, vector<1x16xf32>,
      %swap3A_61 = arith.index_cast %scan3A_35 : i32 to index
      %swap3A_62 = arith.constant 80 : index
      %swap3A_63 = tpu.vector_load %arg7[%swap3A_61, %swap3A_62] {strides = array<i32>} : memref<80x128xf32, #tpu.memory_space<vmem>>, vector<1x16xf32>,
      %swap3A_64 = vector.shape_cast %swap3A_63 : vector<1x16xf32> to vector<16xf32>
      %swap3A_65 = vector.shape_cast %broadcast_in_dim3A_1 : vector<16xf32> to vector<1x16xf32>
      tpu.vector_store %arg7[%swap3A_61, %swap3A_62], %swap3A_65 {strides = array<i32>} : memref<80x128xf32, #tpu.memory_space<vmem>>, vector<1x16xf32>,
      %swap3A_66 = arith.index_cast %scan3A_35 : i32 to index
      %swap3A_67 = arith.constant 96 : index
      %swap3A_68 = tpu.vector_load %arg7[%swap3A_66, %swap3A_67] {strides = array<i32>} : memref<80x128xf32, #tpu.memory_space<vmem>>, vector<1x16xf32>,
      %swap3A_69 = vector.shape_cast %swap3A_68 : vector<1x16xf32> to vector<16xf32>
      %swap3A_70 = vector.shape_cast %broadcast_in_dim3A_1 : vector<16xf32> to vector<1x16xf32>
      tpu.vector_store %arg7[%swap3A_66, %swap3A_67], %swap3A_70 {strides = array<i32>} : memref<80x128xf32, #tpu.memory_space<vmem>>, vector<1x16xf32>,
      %swap3A_71 = arith.index_cast %scan3A_35 : i32 to index
      %swap3A_72 = arith.constant 112 : index
      %swap3A_73 = tpu.vector_load %arg7[%swap3A_71, %swap3A_72] {strides = array<i32>} : memref<80x128xf32, #tpu.memory_space<vmem>>, vector<1x16xf32>,
      %swap3A_74 = vector.shape_cast %swap3A_73 : vector<1x16xf32> to vector<16xf32>
      %swap3A_75 = vector.shape_cast %broadcast_in_dim3A_1 : vector<16xf32> to vector<1x16xf32>
      tpu.vector_store %arg7[%swap3A_71, %swap3A_72], %swap3A_75 {strides = array<i32>} : memref<80x128xf32, #tpu.memory_space<vmem>>, vector<1x16xf32>,
      %scan3A_76 = arith.constant 0 : i32
      scf.yield %scan3A_76 : i32
    }
    %scan3A_9 = arith.constant 80 : i32
    %scan3A_10 = arith.constant 0 : i32
    %scan3A_11 = arith.constant 0 : i32
    %scan3A_12 = arith.constant 8 : i32
    %scan3A_13 = arith.addi %scan3A_11, %scan3A_12 : i32
    %scan3A_14 = arith.constant 1 : i32
    %scan3A_15 = scf.for %scan3A_35 = %scan3A_11 to %scan3A_13 step %scan3A_14 iter_args(%scan3A_36 = %scan3A_10) -> (i32)  : i32 {
      %mul3A_37 = arith.constant 640 : i32
      %mul3A_38 = arith.muli %arg1, %mul3A_37 : i32
      %mul3A_39 = arith.constant 80 : i32
      %mul3A_40 = arith.muli %scan3A_35, %mul3A_39 : i32
      %add3A_41 = arith.addi %mul3A_38, %mul3A_40 : i32
      "tpu.region"() ({
        %run_scoped3A_43 = tpu.sem_alloc : memref<!tpu.dma_semaphore, #tpu.memory_space<semaphore_mem>>
        %dma_start3A_44 = arith.constant 0 : i32
        %dma_start3A_45 = tpu.memref_slice %arg10[%add3A_41, %dma_start3A_44] : memref<10240x128xf32, #tpu.memory_space<vmem_shared>> -> memref<80x128xf32, #tpu.memory_space<vmem_shared>>
        %dma_start3A_46 = arith.constant 0 : i32
        %dma_start3A_47 = tpu.memref_slice %arg10[%add3A_41, %dma_start3A_46] : memref<10240x128xf32, #tpu.memory_space<vmem_shared>> -> memref<80x128xf32, #tpu.memory_space<vmem_shared>>
        tpu.enqueue_dma source(%arg7 : memref<80x128xf32, #tpu.memory_space<vmem>>) target(%dma_start3A_47 : memref<80x128xf32, #tpu.memory_space<vmem_shared>>) target_semaphore(%run_scoped3A_43 : memref<!tpu.dma_semaphore, #tpu.memory_space<semaphore_mem>>)
        %dma_wait3A_48 = arith.constant 0 : i32
        %dma_wait3A_49 = tpu.memref_slice %arg10[%add3A_41, %dma_wait3A_48] : memref<10240x128xf32, #tpu.memory_space<vmem_shared>> -> memref<80x128xf32, #tpu.memory_space<vmem_shared>>
        %dma_wait3A_50 = arith.constant 0 : i32
        %dma_wait3A_51 = tpu.memref_slice %arg10[%add3A_41, %dma_wait3A_50] : memref<10240x128xf32, #tpu.memory_space<vmem_shared>> -> memref<80x128xf32, #tpu.memory_space<vmem_shared>>
        tpu.wait_dma2 semaphore(%run_scoped3A_43 : memref<!tpu.dma_semaphore, #tpu.memory_space<semaphore_mem>>) src(%arg7 : memref<80x128xf32, #tpu.memory_space<vmem>>) dst(%dma_wait3A_51 : memref<80x128xf32, #tpu.memory_space<vmem_shared>>)
        tpu.yield
      }) : () -> ()
      %scan3A_42 = arith.constant 0 : i32
      scf.yield %scan3A_42 : i32
    }
    %scan3A_16 = arith.constant 8 : i32
    %barrier3A = arith.constant 0 : index
    tpu.barrier barrier_id(%barrier3A)
    %scan3A_17 = arith.constant 0 : i32
    %scan3A_18 = arith.constant 0 : i32
    %scan3A_19 = arith.constant 62 : i32
    %scan3A_20 = arith.addi %scan3A_18, %scan3A_19 : i32
    %scan3A_21 = arith.constant 1 : i32
    %scan3A_22 = scf.for %scan3A_35 = %scan3A_18 to %scan3A_20 step %scan3A_21 iter_args(%scan3A_36 = %scan3A_17) -> (i32)  : i32 {
      %mul3A_37 = arith.constant 2 : i32
      %mul3A_38 = arith.muli %scan3A_35, %mul3A_37 : i32
      %mul3A_39 = arith.constant 80 : i32
      %mul3A_40 = arith.muli %mul3A_38, %mul3A_39 : i32
      %dma_start3A_41 = tpu.memref_slice %arg8[%mul3A_40] : memref<10000xi32, #tpu.memory_space<vmem>> -> memref<80xi32, #tpu.memory_space<vmem>>
      %dma_start3A_42 = arith.constant 0 : i32
      %dma_start3A_43 = arith.constant 0 : i32
      %dma_start3A_44 = tpu.memref_slice %arg2[%dma_start3A_42, %dma_start3A_43] : memref<10000x128xf32, #tpu.memory_space<hbm>> -> memref<10000x128xf32, #tpu.memory_space<hbm>>
      tpu.enqueue_indirect_dma source(%dma_start3A_44 : memref<10000x128xf32, #tpu.memory_space<hbm>>) target(%arg6 : memref<80x128xf32, #tpu.memory_space<vmem>>) offsets(%dma_start3A_41 : memref<80xi32, #tpu.memory_space<vmem>>) semaphore(%arg11 : memref<!tpu.dma_semaphore, #tpu.memory_space<semaphore_mem>>)
      %add3A_45 = arith.constant 1 : i32
      %add3A_46 = arith.addi %mul3A_38, %add3A_45 : i32
      %mul3A_47 = arith.constant 80 : i32
      %mul3A_48 = arith.muli %add3A_46, %mul3A_47 : i32
      %dma_start3A_49 = tpu.memref_slice %arg8[%mul3A_48] : memref<10000xi32, #tpu.memory_space<vmem>> -> memref<80xi32, #tpu.memory_space<vmem>>
      %dma_start3A_50 = arith.constant 0 : i32
      %dma_start3A_51 = arith.constant 0 : i32
      %dma_start3A_52 = tpu.memref_slice %arg2[%dma_start3A_50, %dma_start3A_51] : memref<10000x128xf32, #tpu.memory_space<hbm>> -> memref<10000x128xf32, #tpu.memory_space<hbm>>
      tpu.enqueue_indirect_dma source(%dma_start3A_52 : memref<10000x128xf32, #tpu.memory_space<hbm>>) target(%arg7 : memref<80x128xf32, #tpu.memory_space<vmem>>) offsets(%dma_start3A_49 : memref<80xi32, #tpu.memory_space<vmem>>) semaphore(%arg12 : memref<!tpu.dma_semaphore, #tpu.memory_space<semaphore_mem>>)
      %dma_wait3A_53 = tpu.memref_slice %arg8[%mul3A_40] : memref<10000xi32, #tpu.memory_space<vmem>> -> memref<80xi32, #tpu.memory_space<vmem>>
      %dma_wait3A_54 = arith.constant 0 : i32
      %dma_wait3A_55 = arith.constant 0 : i32
      %dma_wait3A_56 = tpu.memref_slice %arg2[%dma_wait3A_54, %dma_wait3A_55] : memref<10000x128xf32, #tpu.memory_space<hbm>> -> memref<10000x128xf32, #tpu.memory_space<hbm>>
      tpu.wait_indirect_dma semaphore(%arg11 : memref<!tpu.dma_semaphore, #tpu.memory_space<semaphore_mem>>) src(%dma_wait3A_56 : memref<10000x128xf32, #tpu.memory_space<hbm>>) dst(%arg6 : memref<80x128xf32, #tpu.memory_space<vmem>>)
      "tpu.region"() ({
        %run_scoped3A_64 = tpu.sem_alloc : memref<!tpu.dma_semaphore, #tpu.memory_space<semaphore_mem>>
        %dma_start3A_65 = arith.constant 0 : i32
        %dma_start3A_66 = tpu.memref_slice %arg9[%mul3A_38, %dma_start3A_65] : memref<125x80xi32, #tpu.memory_space<vmem>> -> memref<1x80xi32, #tpu.memory_space<vmem>>
        %dma_start3A_67 = tpu.memref_squeeze %dma_start3A_66 : memref<1x80xi32, #tpu.memory_space<vmem>> -> memref<80xi32, #tpu.memory_space<vmem>>
        %dma_start3A_68 = arith.constant 0 : i32
        %dma_start3A_69 = arith.constant 0 : i32
        %dma_start3A_70 = tpu.memref_slice %arg10[%dma_start3A_68, %dma_start3A_69] : memref<10240x128xf32, #tpu.memory_space<vmem_shared>> -> memref<10240x128xf32, #tpu.memory_space<vmem_shared>>
        tpu.enqueue_indirect_dma source(%arg6 : memref<80x128xf32, #tpu.memory_space<vmem>>) target(%dma_start3A_70 : memref<10240x128xf32, #tpu.memory_space<vmem_shared>>) offsets(%dma_start3A_67 : memref<80xi32, #tpu.memory_space<vmem>>) semaphore(%run_scoped3A_64 : memref<!tpu.dma_semaphore, #tpu.memory_space<semaphore_mem>>) {add = true}
        %dma_wait3A_71 = arith.constant 0 : i32
        %dma_wait3A_72 = tpu.memref_slice %arg9[%mul3A_38, %dma_wait3A_71] : memref<125x80xi32, #tpu.memory_space<vmem>> -> memref<1x80xi32, #tpu.memory_space<vmem>>
        %dma_wait3A_73 = tpu.memref_squeeze %dma_wait3A_72 : memref<1x80xi32, #tpu.memory_space<vmem>> -> memref<80xi32, #tpu.memory_space<vmem>>
        %dma_wait3A_74 = arith.constant 0 : i32
        %dma_wait3A_75 = arith.constant 0 : i32
        %dma_wait3A_76 = tpu.memref_slice %arg10[%dma_wait3A_74, %dma_wait3A_75] : memref<10240x128xf32, #tpu.memory_space<vmem_shared>> -> memref<10240x128xf32, #tpu.memory_space<vmem_shared>>
        tpu.wait_indirect_dma semaphore(%run_scoped3A_64 : memref<!tpu.dma_semaphore, #tpu.memory_space<semaphore_mem>>) src(%arg6 : memref<80x128xf32, #tpu.memory_space<vmem>>) dst(%dma_wait3A_76 : memref<10240x128xf32, #tpu.memory_space<vmem_shared>>)
        tpu.yield
      }) : () -> ()
      %dma_wait3A_57 = tpu.memref_slice %arg8[%mul3A_48] : memref<10000xi32, #tpu.memory_space<vmem>> -> memref<80xi32, #tpu.memory_space<vmem>>
      %dma_wait3A_58 = arith.constant 0 : i32
      %dma_wait3A_59 = arith.constant 0 : i32
      %dma_wait3A_60 = tpu.memref_slice %arg2[%dma_wait3A_58, %dma_wait3A_59] : memref<10000x128xf32, #tpu.memory_space<hbm>> -> memref<10000x128xf32, #tpu.memory_space<hbm>>
      tpu.wait_indirect_dma semaphore(%arg12 : memref<!tpu.dma_semaphore, #tpu.memory_space<semaphore_mem>>) src(%dma_wait3A_60 : memref<10000x128xf32, #tpu.memory_space<hbm>>) dst(%arg7 : memref<80x128xf32, #tpu.memory_space<vmem>>)
      %add3A_61 = arith.constant 1 : i32
      %add3A_62 = arith.addi %mul3A_38, %add3A_61 : i32
      "tpu.region"() ({
        %run_scoped3A_64 = tpu.sem_alloc : memref<!tpu.dma_semaphore, #tpu.memory_space<semaphore_mem>>
        %dma_start3A_65 = arith.constant 0 : i32
        %dma_start3A_66 = tpu.memref_slice %arg9[%add3A_62, %dma_start3A_65] : memref<125x80xi32, #tpu.memory_space<vmem>> -> memref<1x80xi32, #tpu.memory_space<vmem>>
        %dma_start3A_67 = tpu.memref_squeeze %dma_start3A_66 : memref<1x80xi32, #tpu.memory_space<vmem>> -> memref<80xi32, #tpu.memory_space<vmem>>
        %dma_start3A_68 = arith.constant 0 : i32
        %dma_start3A_69 = arith.constant 0 : i32
        %dma_start3A_70 = tpu.memref_slice %arg10[%dma_start3A_68, %dma_start3A_69] : memref<10240x128xf32, #tpu.memory_space<vmem_shared>> -> memref<10240x128xf32, #tpu.memory_space<vmem_shared>>
        tpu.enqueue_indirect_dma source(%arg7 : memref<80x128xf32, #tpu.memory_space<vmem>>) target(%dma_start3A_70 : memref<10240x128xf32, #tpu.memory_space<vmem_shared>>) offsets(%dma_start3A_67 : memref<80xi32, #tpu.memory_space<vmem>>) semaphore(%run_scoped3A_64 : memref<!tpu.dma_semaphore, #tpu.memory_space<semaphore_mem>>) {add = true}
        %dma_wait3A_71 = arith.constant 0 : i32
        %dma_wait3A_72 = tpu.memref_slice %arg9[%add3A_62, %dma_wait3A_71] : memref<125x80xi32, #tpu.memory_space<vmem>> -> memref<1x80xi32, #tpu.memory_space<vmem>>
        %dma_wait3A_73 = tpu.memref_squeeze %dma_wait3A_72 : memref<1x80xi32, #tpu.memory_space<vmem>> -> memref<80xi32, #tpu.memory_space<vmem>>
        %dma_wait3A_74 = arith.constant 0 : i32
        %dma_wait3A_75 = arith.constant 0 : i32
        %dma_wait3A_76 = tpu.memref_slice %arg10[%dma_wait3A_74, %dma_wait3A_75] : memref<10240x128xf32, #tpu.memory_space<vmem_shared>> -> memref<10240x128xf32, #tpu.memory_space<vmem_shared>>
        tpu.wait_indirect_dma semaphore(%run_scoped3A_64 : memref<!tpu.dma_semaphore, #tpu.memory_space<semaphore_mem>>) src(%arg7 : memref<80x128xf32, #tpu.memory_space<vmem>>) dst(%dma_wait3A_76 : memref<10240x128xf32, #tpu.memory_space<vmem_shared>>)
        tpu.yield
      }) : () -> ()
      %scan3A_63 = arith.constant 0 : i32
      scf.yield %scan3A_63 : i32
    }
    %scan3A_23 = arith.constant 62 : i32
    %dma_start3A = arith.constant 9920 : i32
    %dma_start3A_24 = tpu.memref_slice %arg8[%dma_start3A] : memref<10000xi32, #tpu.memory_space<vmem>> -> memref<80xi32, #tpu.memory_space<vmem>>
    %dma_start3A_25 = arith.constant 0 : i32
    %dma_start3A_26 = arith.constant 0 : i32
    %dma_start3A_27 = tpu.memref_slice %arg2[%dma_start3A_25, %dma_start3A_26] : memref<10000x128xf32, #tpu.memory_space<hbm>> -> memref<10000x128xf32, #tpu.memory_space<hbm>>
    tpu.enqueue_indirect_dma source(%dma_start3A_27 : memref<10000x128xf32, #tpu.memory_space<hbm>>) target(%arg6 : memref<80x128xf32, #tpu.memory_space<vmem>>) offsets(%dma_start3A_24 : memref<80xi32, #tpu.memory_space<vmem>>) semaphore(%arg11 : memref<!tpu.dma_semaphore, #tpu.memory_space<semaphore_mem>>)
    %dma_wait3A = arith.constant 9920 : i32
    %dma_wait3A_28 = tpu.memref_slice %arg8[%dma_wait3A] : memref<10000xi32, #tpu.memory_space<vmem>> -> memref<80xi32, #tpu.memory_space<vmem>>
    %dma_wait3A_29 = arith.constant 0 : i32
    %dma_wait3A_30 = arith.constant 0 : i32
    %dma_wait3A_31 = tpu.memref_slice %arg2[%dma_wait3A_29, %dma_wait3A_30] : memref<10000x128xf32, #tpu.memory_space<hbm>> -> memref<10000x128xf32, #tpu.memory_space<hbm>>
    tpu.wait_indirect_dma semaphore(%arg11 : memref<!tpu.dma_semaphore, #tpu.memory_space<semaphore_mem>>) src(%dma_wait3A_31 : memref<10000x128xf32, #tpu.memory_space<hbm>>) dst(%arg6 : memref<80x128xf32, #tpu.memory_space<vmem>>)
    %run_scoped3A = arith.constant 124 : i32
    "tpu.region"() ({
      %run_scoped3A_35 = tpu.sem_alloc : memref<!tpu.dma_semaphore, #tpu.memory_space<semaphore_mem>>
      %dma_start3A_36 = arith.constant 0 : i32
      %dma_start3A_37 = tpu.memref_slice %arg9[%run_scoped3A, %dma_start3A_36] : memref<125x80xi32, #tpu.memory_space<vmem>> -> memref<1x80xi32, #tpu.memory_space<vmem>>
      %dma_start3A_38 = tpu.memref_squeeze %dma_start3A_37 : memref<1x80xi32, #tpu.memory_space<vmem>> -> memref<80xi32, #tpu.memory_space<vmem>>
      %dma_start3A_39 = arith.constant 0 : i32
      %dma_start3A_40 = arith.constant 0 : i32
      %dma_start3A_41 = tpu.memref_slice %arg10[%dma_start3A_39, %dma_start3A_40] : memref<10240x128xf32, #tpu.memory_space<vmem_shared>> -> memref<10240x128xf32, #tpu.memory_space<vmem_shared>>
      tpu.enqueue_indirect_dma source(%arg6 : memref<80x128xf32, #tpu.memory_space<vmem>>) target(%dma_start3A_41 : memref<10240x128xf32, #tpu.memory_space<vmem_shared>>) offsets(%dma_start3A_38 : memref<80xi32, #tpu.memory_space<vmem>>) semaphore(%run_scoped3A_35 : memref<!tpu.dma_semaphore, #tpu.memory_space<semaphore_mem>>) {add = true}
      %dma_wait3A_42 = arith.constant 0 : i32
      %dma_wait3A_43 = tpu.memref_slice %arg9[%run_scoped3A, %dma_wait3A_42] : memref<125x80xi32, #tpu.memory_space<vmem>> -> memref<1x80xi32, #tpu.memory_space<vmem>>
      %dma_wait3A_44 = tpu.memref_squeeze %dma_wait3A_43 : memref<1x80xi32, #tpu.memory_space<vmem>> -> memref<80xi32, #tpu.memory_space<vmem>>
      %dma_wait3A_45 = arith.constant 0 : i32
      %dma_wait3A_46 = arith.constant 0 : i32
      %dma_wait3A_47 = tpu.memref_slice %arg10[%dma_wait3A_45, %dma_wait3A_46] : memref<10240x128xf32, #tpu.memory_space<vmem_shared>> -> memref<10240x128xf32, #tpu.memory_space<vmem_shared>>
      tpu.wait_indirect_dma semaphore(%run_scoped3A_35 : memref<!tpu.dma_semaphore, #tpu.memory_space<semaphore_mem>>) src(%arg6 : memref<80x128xf32, #tpu.memory_space<vmem>>) dst(%dma_wait3A_47 : memref<10240x128xf32, #tpu.memory_space<vmem_shared>>)
      tpu.yield
    }) : () -> ()
    %barrier3A_32 = arith.constant 0 : index
    tpu.barrier barrier_id(%barrier3A_32)
    %mul3A_33 = arith.constant 640 : i32
    %mul3A_34 = arith.muli %arg1, %mul3A_33 : i32
    "tpu.region"() ({
      %run_scoped3A_35 = tpu.sem_alloc : memref<!tpu.dma_semaphore, #tpu.memory_space<semaphore_mem>>
      %dma_start3A_36 = arith.constant 0 : i32
      %dma_start3A_37 = tpu.memref_slice %arg5[%arg0, %mul3A_34, %dma_start3A_36] : memref<2x10240x128xf32, #tpu.memory_space<hbm>> -> memref<1x640x128xf32, #tpu.memory_space<hbm>>
      %dma_start3A_38 = tpu.memref_squeeze %dma_start3A_37 : memref<1x640x128xf32, #tpu.memory_space<hbm>> -> memref<640x128xf32, #tpu.memory_space<hbm>>
      %dma_start3A_39 = arith.constant 0 : i32
      %dma_start3A_40 = tpu.memref_slice %arg10[%mul3A_34, %dma_start3A_39] : memref<10240x128xf32, #tpu.memory_space<vmem_shared>> -> memref<640x128xf32, #tpu.memory_space<vmem_shared>>
      tpu.enqueue_dma source(%dma_start3A_40 : memref<640x128xf32, #tpu.memory_space<vmem_shared>>) target(%dma_start3A_38 : memref<640x128xf32, #tpu.memory_space<hbm>>) target_semaphore(%run_scoped3A_35 : memref<!tpu.dma_semaphore, #tpu.memory_space<semaphore_mem>>)
      %dma_wait3A_41 = arith.constant 0 : i32
      %dma_wait3A_42 = tpu.memref_slice %arg5[%arg0, %mul3A_34, %dma_wait3A_41] : memref<2x10240x128xf32, #tpu.memory_space<hbm>> -> memref<1x640x128xf32, #tpu.memory_space<hbm>>
      %dma_wait3A_43 = tpu.memref_squeeze %dma_wait3A_42 : memref<1x640x128xf32, #tpu.memory_space<hbm>> -> memref<640x128xf32, #tpu.memory_space<hbm>>
      %dma_wait3A_44 = arith.constant 0 : i32
      %dma_wait3A_45 = tpu.memref_slice %arg10[%mul3A_34, %dma_wait3A_44] : memref<10240x128xf32, #tpu.memory_space<vmem_shared>> -> memref<640x128xf32, #tpu.memory_space<vmem_shared>>
      tpu.wait_dma2 semaphore(%run_scoped3A_35 : memref<!tpu.dma_semaphore, #tpu.memory_space<semaphore_mem>>) src(%dma_wait3A_45 : memref<640x128xf32, #tpu.memory_space<vmem_shared>>) dst(%dma_wait3A_43 : memref<640x128xf32, #tpu.memory_space<hbm>>)
      tpu.yield
    }) : () -> ()
    return
  }
}

module attributes {stable_mosaic.version = 14 : i64} {
  func.func @_l1_body(%arg0: memref<2x10240x128xf32, #tpu.memory_space<vmem>>, %arg1: memref<10000x1xf32, #tpu.memory_space<vmem>>, %arg2: memref<10000x1xf32, #tpu.memory_space<vmem>>, %arg3: memref<128x128xf32, #tpu.memory_space<vmem>>, %arg4: memref<1x128xf32, #tpu.memory_space<vmem>>, %arg5: memref<10000x128xf32, #tpu.memory_space<vmem>>) attributes {dimension_semantics = [], scalar_prefetch = 0 : i64, scratch_operands = 0 : i64, tpu.core_type = #tpu.core_type<tc>} {
    %get3A = arith.constant 0 : index
    %get3A_0 = arith.constant 0 : index
    %get3A_1 = arith.constant 0 : index
    %get3A_2 = vector.load %arg0[%get3A, %get3A_0, %get3A_1] : memref<2x10240x128xf32, #tpu.memory_space<vmem>>, vector<1x10240x128xf32>
    %get3A_3 = vector.shape_cast %get3A_2 : vector<1x10240x128xf32> to vector<10240x128xf32>
    %get3A_4 = arith.constant 1 : index
    %get3A_5 = arith.constant 0 : index
    %get3A_6 = arith.constant 0 : index
    %get3A_7 = vector.load %arg0[%get3A_4, %get3A_5, %get3A_6] : memref<2x10240x128xf32, #tpu.memory_space<vmem>>, vector<1x10240x128xf32>
    %get3A_8 = vector.shape_cast %get3A_7 : vector<1x10240x128xf32> to vector<10240x128xf32>
    %add3A = arith.addf %get3A_3, %get3A_8 : vector<10240x128xf32>
    %slice3A = vector.extract_strided_slice %add3A {offsets = [0, 0], sizes = [10000, 128], strides = [1, 1]} : vector<10240x128xf32> to vector<10000x128xf32>
    %get3A_9 = arith.constant 0 : index
    %get3A_10 = arith.constant 0 : index
    %get3A_11 = vector.load %arg2[%get3A_9, %get3A_10] : memref<10000x1xf32, #tpu.memory_space<vmem>>, vector<10000x1xf32>
    %mul3A = vector.broadcast %get3A_11 : vector<10000x1xf32> to vector<10000x128xf32>
    %mul3A_12 = arith.mulf %slice3A, %mul3A : vector<10000x128xf32>
    %get3A_13 = arith.constant 0 : index
    %get3A_14 = arith.constant 0 : index
    %get3A_15 = vector.load %arg3[%get3A_13, %get3A_14] : memref<128x128xf32, #tpu.memory_space<vmem>>, vector<128x128xf32>
    %dot_general3A = arith.constant dense<0.000000e+00> : vector<10000x128xf32>
    %dot_general3A_16 = tpu.matmul %mul3A_12, %get3A_15, %dot_general3A {dimension_numbers = #tpu.dot_dimension_numbers<[1], [0], [0], [1], [0, 0, 1, 1], [], []>, transpose_lhs_hint = false} : vector<10000x128xf32>, vector<128x128xf32>, vector<10000x128xf32> -> vector<10000x128xf32>
    %get3A_17 = arith.constant 0 : index
    %get3A_18 = arith.constant 0 : index
    %get3A_19 = vector.load %arg4[%get3A_17, %get3A_18] : memref<1x128xf32, #tpu.memory_space<vmem>>, vector<1x128xf32>
    %add3A_20 = vector.broadcast %get3A_19 : vector<1x128xf32> to vector<10000x128xf32>
    %add3A_21 = arith.addf %dot_general3A_16, %add3A_20 : vector<10000x128xf32>
    %max3A = arith.constant 0.000000e+00 : f32
    %max3A_22 = vector.broadcast %max3A : f32 to vector<10000x128xf32>
    %max3A_23 = arith.maximumf %add3A_21, %max3A_22 : vector<10000x128xf32>
    %get3A_24 = arith.constant 0 : index
    %get3A_25 = arith.constant 0 : index
    %get3A_26 = vector.load %arg1[%get3A_24, %get3A_25] : memref<10000x1xf32, #tpu.memory_space<vmem>>, vector<10000x1xf32>
    %mul3A_27 = vector.broadcast %get3A_26 : vector<10000x1xf32> to vector<10000x128xf32>
    %mul3A_28 = arith.mulf %max3A_23, %mul3A_27 : vector<10000x128xf32>
    %swap3A = arith.constant 0 : index
    %swap3A_29 = arith.constant 0 : index
    %swap3A_30 = vector.load %arg5[%swap3A, %swap3A_29] : memref<10000x128xf32, #tpu.memory_space<vmem>>, vector<10000x128xf32>
    tpu.vector_store %arg5[%swap3A, %swap3A_29], %mul3A_28 {strides = array<i32>} : memref<10000x128xf32, #tpu.memory_space<vmem>>, vector<10000x128xf32>,
    return
  }
}

module attributes {stable_mosaic.version = 14 : i64} {
  func.func @_prep_body(%arg0: memref<10000x128xf32, #tpu.memory_space<vmem>>, %arg1: memref<2x10240x16xf32, #tpu.memory_space<vmem>>, %arg2: memref<2x10240x16xf32, #tpu.memory_space<vmem>>, %arg3: memref<10000x128xf32, #tpu.memory_space<vmem>>, %arg4: memref<10000x1xf32, #tpu.memory_space<vmem>>, %arg5: memref<10000x1xf32, #tpu.memory_space<vmem>>) attributes {dimension_semantics = [], scalar_prefetch = 0 : i64, scratch_operands = 0 : i64, tpu.core_type = #tpu.core_type<tc>} {
    %get3A = arith.constant 0 : index
    %get3A_0 = arith.constant 0 : index
    %get3A_1 = arith.constant 0 : index
    %get3A_2 = vector.load %arg1[%get3A, %get3A_0, %get3A_1] : memref<2x10240x16xf32, #tpu.memory_space<vmem>>, vector<1x10240x16xf32>
    %get3A_3 = vector.shape_cast %get3A_2 : vector<1x10240x16xf32> to vector<10240x16xf32>
    %get3A_4 = arith.constant 1 : index
    %get3A_5 = arith.constant 0 : index
    %get3A_6 = arith.constant 0 : index
    %get3A_7 = vector.load %arg1[%get3A_4, %get3A_5, %get3A_6] : memref<2x10240x16xf32, #tpu.memory_space<vmem>>, vector<1x10240x16xf32>
    %get3A_8 = vector.shape_cast %get3A_7 : vector<1x10240x16xf32> to vector<10240x16xf32>
    %add3A = arith.addf %get3A_3, %get3A_8 : vector<10240x16xf32>
    %slice3A = vector.extract_strided_slice %add3A {offsets = [0, 0], sizes = [10000, 1], strides = [1, 1]} : vector<10240x16xf32> to vector<10000x1xf32>
    %get3A_9 = arith.constant 0 : index
    %get3A_10 = arith.constant 0 : index
    %get3A_11 = arith.constant 0 : index
    %get3A_12 = vector.load %arg2[%get3A_9, %get3A_10, %get3A_11] : memref<2x10240x16xf32, #tpu.memory_space<vmem>>, vector<1x10240x16xf32>
    %get3A_13 = vector.shape_cast %get3A_12 : vector<1x10240x16xf32> to vector<10240x16xf32>
    %get3A_14 = arith.constant 1 : index
    %get3A_15 = arith.constant 0 : index
    %get3A_16 = arith.constant 0 : index
    %get3A_17 = vector.load %arg2[%get3A_14, %get3A_15, %get3A_16] : memref<2x10240x16xf32, #tpu.memory_space<vmem>>, vector<1x10240x16xf32>
    %get3A_18 = vector.shape_cast %get3A_17 : vector<1x10240x16xf32> to vector<10240x16xf32>
    %add3A_19 = arith.addf %get3A_13, %get3A_18 : vector<10240x16xf32>
    %slice3A_20 = vector.extract_strided_slice %add3A_19 {offsets = [0, 0], sizes = [10000, 1], strides = [1, 1]} : vector<10240x16xf32> to vector<10000x1xf32>
    %max3A = arith.constant 1.000000e+00 : f32
    %max3A_21 = vector.broadcast %max3A : f32 to vector<10000x1xf32>
    %max3A_22 = arith.maximumf %slice3A, %max3A_21 : vector<10000x1xf32>
    %rsqrt3A = math.rsqrt %max3A_22 : vector<10000x1xf32>
    %max3A_23 = arith.constant 1.000000e+00 : f32
    %max3A_24 = vector.broadcast %max3A_23 : f32 to vector<10000x1xf32>
    %max3A_25 = arith.maximumf %slice3A_20, %max3A_24 : vector<10000x1xf32>
    %rsqrt3A_26 = math.rsqrt %max3A_25 : vector<10000x1xf32>
    %swap3A = arith.constant 0 : index
    %swap3A_27 = arith.constant 0 : index
    %swap3A_28 = vector.load %arg4[%swap3A, %swap3A_27] : memref<10000x1xf32, #tpu.memory_space<vmem>>, vector<10000x1xf32>
    tpu.vector_store %arg4[%swap3A, %swap3A_27], %rsqrt3A {strides = array<i32>} : memref<10000x1xf32, #tpu.memory_space<vmem>>, vector<10000x1xf32>,
    %swap3A_29 = arith.constant 0 : index
    %swap3A_30 = arith.constant 0 : index
    %swap3A_31 = vector.load %arg5[%swap3A_29, %swap3A_30] : memref<10000x1xf32, #tpu.memory_space<vmem>>, vector<10000x1xf32>
    tpu.vector_store %arg5[%swap3A_29, %swap3A_30], %rsqrt3A_26 {strides = array<i32>} : memref<10000x1xf32, #tpu.memory_space<vmem>>, vector<10000x1xf32>,
    %get3A_32 = arith.constant 0 : index
    %get3A_33 = arith.constant 0 : index
    %get3A_34 = vector.load %arg0[%get3A_32, %get3A_33] : memref<10000x128xf32, #tpu.memory_space<vmem>>, vector<10000x128xf32>
    %mul3A = vector.broadcast %rsqrt3A : vector<10000x1xf32> to vector<10000x128xf32>
    %mul3A_35 = arith.mulf %get3A_34, %mul3A : vector<10000x128xf32>
    %swap3A_36 = arith.constant 0 : index
    %swap3A_37 = arith.constant 0 : index
    %swap3A_38 = vector.load %arg3[%swap3A_36, %swap3A_37] : memref<10000x128xf32, #tpu.memory_space<vmem>>, vector<10000x128xf32>
    tpu.vector_store %arg3[%swap3A_36, %swap3A_37], %mul3A_35 {strides = array<i32>} : memref<10000x128xf32, #tpu.memory_space<vmem>>, vector<10000x128xf32>,
    return
  }
}

module attributes {stable_mosaic.version = 14 : i64} {
  func.func @_l2_body(%arg0: memref<2x10240x128xf32, #tpu.memory_space<vmem>>, %arg1: memref<10000x1xf32, #tpu.memory_space<vmem>>, %arg2: memref<128x128xf32, #tpu.memory_space<vmem>>, %arg3: memref<1x128xf32, #tpu.memory_space<vmem>>, %arg4: memref<10000x128xf32, #tpu.memory_space<vmem>>, %arg5: memref<10000x128xf32, #tpu.memory_space<vmem>>) attributes {dimension_semantics = [], scalar_prefetch = 0 : i64, scratch_operands = 0 : i64, tpu.core_type = #tpu.core_type<tc>} {
    %get3A = arith.constant 0 : index
    %get3A_0 = arith.constant 0 : index
    %get3A_1 = arith.constant 0 : index
    %get3A_2 = vector.load %arg0[%get3A, %get3A_0, %get3A_1] : memref<2x10240x128xf32, #tpu.memory_space<vmem>>, vector<1x10240x128xf32>
    %get3A_3 = vector.shape_cast %get3A_2 : vector<1x10240x128xf32> to vector<10240x128xf32>
    %get3A_4 = arith.constant 1 : index
    %get3A_5 = arith.constant 0 : index
    %get3A_6 = arith.constant 0 : index
    %get3A_7 = vector.load %arg0[%get3A_4, %get3A_5, %get3A_6] : memref<2x10240x128xf32, #tpu.memory_space<vmem>>, vector<1x10240x128xf32>
    %get3A_8 = vector.shape_cast %get3A_7 : vector<1x10240x128xf32> to vector<10240x128xf32>
    %add3A = arith.addf %get3A_3, %get3A_8 : vector<10240x128xf32>
    %slice3A = vector.extract_strided_slice %add3A {offsets = [0, 0], sizes = [10000, 128], strides = [1, 1]} : vector<10240x128xf32> to vector<10000x128xf32>
    %get3A_9 = arith.constant 0 : index
    %get3A_10 = arith.constant 0 : index
    %get3A_11 = vector.load %arg1[%get3A_9, %get3A_10] : memref<10000x1xf32, #tpu.memory_space<vmem>>, vector<10000x1xf32>
    %mul3A = vector.broadcast %get3A_11 : vector<10000x1xf32> to vector<10000x128xf32>
    %mul3A_12 = arith.mulf %slice3A, %mul3A : vector<10000x128xf32>
    %get3A_13 = arith.constant 0 : index
    %get3A_14 = arith.constant 0 : index
    %get3A_15 = vector.load %arg2[%get3A_13, %get3A_14] : memref<128x128xf32, #tpu.memory_space<vmem>>, vector<128x128xf32>
    %dot_general3A = arith.constant dense<0.000000e+00> : vector<10000x128xf32>
    %dot_general3A_16 = tpu.matmul %mul3A_12, %get3A_15, %dot_general3A {dimension_numbers = #tpu.dot_dimension_numbers<[1], [0], [0], [1], [0, 0, 1, 1], [], []>, transpose_lhs_hint = false} : vector<10000x128xf32>, vector<128x128xf32>, vector<10000x128xf32> -> vector<10000x128xf32>
    %get3A_17 = arith.constant 0 : index
    %get3A_18 = arith.constant 0 : index
    %get3A_19 = vector.load %arg3[%get3A_17, %get3A_18] : memref<1x128xf32, #tpu.memory_space<vmem>>, vector<1x128xf32>
    %add3A_20 = vector.broadcast %get3A_19 : vector<1x128xf32> to vector<10000x128xf32>
    %add3A_21 = arith.addf %dot_general3A_16, %add3A_20 : vector<10000x128xf32>
    %reduce_max3A = arith.constant dense<0xFF800000> : vector<10000xf32>
    %reduce_max3A_22 = vector.multi_reduction <maximumf>, %add3A_21, %reduce_max3A [1] : vector<10000x128xf32> to vector<10000xf32>
    %broadcast_in_dim3A = vector.shape_cast %reduce_max3A_22 : vector<10000xf32> to vector<10000x1xf32>
    %sub3A = vector.broadcast %broadcast_in_dim3A : vector<10000x1xf32> to vector<10000x128xf32>
    %sub3A_23 = arith.subf %add3A_21, %sub3A : vector<10000x128xf32>
    %exp3A = math.exp %sub3A_23 : vector<10000x128xf32>
    %reduce_sum3A = arith.constant dense<0.000000e+00> : vector<10000xf32>
    %reduce_sum3A_24 = vector.multi_reduction <add>, %exp3A, %reduce_sum3A [1] : vector<10000x128xf32> to vector<10000xf32>
    %broadcast_in_dim3A_25 = vector.shape_cast %reduce_sum3A_24 : vector<10000xf32> to vector<10000x1xf32>
    %div3A = vector.broadcast %broadcast_in_dim3A_25 : vector<10000x1xf32> to vector<10000x128xf32>
    %div3A_26 = arith.divf %exp3A, %div3A : vector<10000x128xf32>
    %swap3A = arith.constant 0 : index
    %swap3A_27 = arith.constant 0 : index
    %swap3A_28 = vector.load %arg4[%swap3A, %swap3A_27] : memref<10000x128xf32, #tpu.memory_space<vmem>>, vector<10000x128xf32>
    tpu.vector_store %arg4[%swap3A, %swap3A_27], %div3A_26 {strides = array<i32>} : memref<10000x128xf32, #tpu.memory_space<vmem>>, vector<10000x128xf32>,
    %swap3A_29 = arith.constant 0 : index
    %swap3A_30 = arith.constant 0 : index
    %swap3A_31 = vector.load %arg5[%swap3A_29, %swap3A_30] : memref<10000x128xf32, #tpu.memory_space<vmem>>, vector<10000x128xf32>
    tpu.vector_store %arg5[%swap3A_29, %swap3A_30], %add3A_21 {strides = array<i32>} : memref<10000x128xf32, #tpu.memory_space<vmem>>, vector<10000x128xf32>,
    return
  }
}

</mosaic_0001>

<sc_bundles>
// kernel: kernel.11.cloned.1.call-start
scs
__scs_entry_jumppad:
0x0: {  	(pc) =	sbr.rel $0x88, $3  }
0x1: {  	(tag) =	ssettag $0x0;
	lr =	simm.s32 $0x1  }
0x2: {  	[smem:$0x3F9B] =	sst lr;
	_ =	strace $0xD0000000  }
0x3: {  	_ = 	snop  }
0x4: {  	_ = 	snop  }
0x5: {  	_ = 	snop  }
0x6: {  	_ = 	snop  }
0x7: {  	_ = 	snop  }
__scs_overlays_trampoline_lowered:
0x8: {  	[smem:$0x3FAA] =	sst s0  }
0x9: {  	[smem:$0x3FAB] =	sst s1  }
0xa: {  	[smem:$0x3FAC] =	sst s2  }
0xb: {  	[smem:$0x3FAD] =	sst s3  }
0xc: {  	[smem:$0x3FAE] =	sst s4  }
0xd: {  	[smem:$0x3FAF] =	sst s5  }
0xe: {  	[smem:$0x3FB0] =	sst s6  }
0xf: {  	[smem:$0x3FB1] =	sst s7  }
0x10: {  	[smem:$0x3FB2] =	sst s8  }
0x11: {  	[smem:$0x3FB3] =	sst s9;
	s0 =	simm.s32 @!p0 $0x0  }
0x12: {  	s1 =	sld [smem:$0x3F99];
	s0 =	simm.s32 @p0 $0x1  }
0x13: {  	[smem:$0x3FB4] =	sst s0;
	s0 =	simm.s32 @!p1 $0x0  }
0x14: {  	s2 =	sld [smem:$0x3F98];
	s0 =	simm.s32 @p1 $0x1  }
0x15: {  	[smem:$0x3FB5] =	sst s0;
	s0 =	simm.s32 @!p2 $0x0  }
0x16: {  	s3 =	sld [smem:$0x3FDB];
	s0 =	simm.s32 @p2 $0x1  }
0x17: {  	s4 =	simm.s32 $0x1BF5;
	[smem:$0x3FB7] =	sst s0  }
0x18: {  	s0 =	sld [smem:$0x3F9A];
	_ =	swait.ge [sflag:s4], $0x0  }
0x19: {  	s7 =	sld [smem:$0x3F9B]  }
0x1a: {  	s8 =	sadd.s32 $0xFFFFE003, lr  }
0x1b: {  	s9 =	sadd.s32 $0xFFFFFEF7, lr;
	s5 =	simm.s32 $0xFFFFFFFF;
	p2 =	slt.u32 s8, $0xFFFFF086  }
0x1c: {  	p1 =	slt.u32 s9, $0xF7A;
	s5 =	simm.s32 @!p2 $0x0  }
0x1d: {  	s5 =	simm.s32 @p1 $0x1;
	p0 =	seq.s32 s7, s2  }
0x1e: {  	s7 =	smul.u32 @!p0 $0xF7A, s2;
	p2 =	seq.s32 @!p0 s5, $0x0  }
0x1f: {  	s9 =	smul.u32 $0xF7A, s1;
	s8 =	simm.s32 @!p0 $0x1BF5;
	p2 =	por !p2, p0  }
0x20: {  	[sflag:s8] =	ssyncset.s32 @!p0 $0xFFFFF086;
	s6 =	sadd.s32 @!p0 s3, s7;
	s7 =	simm.s32 @!p0 $0x108  }
0x21: {  	s3 =	sadd.s32 s3, s9;
	s6 =	sadd.s32 @!p0 $0x88, s6;
	s7 =	simm.s32 @p2 $0x1082  }
0x22: {  	[simem:s7], [sflag:s8] =	dma.local @!p0 [hbm:s6], $0xF7A  }
0x23: {  	s9 =	sor.u32 $0xD0000000, s2;
	s6 =	simm.s32 $0x108;
	_ =	swait.ge @!p0 [sflag:s8], $0x0  }
0x24: {  	s3 =	sadd.s32 $0x88, s3;
	s6 =	simm.s32 @!p1 $0x1082;
	[sflag:s4] =	ssyncset.s32 $0xFFFFF086  }
0x25: {  	[simem:s6], [sflag:s4] =	dma.local [hbm:s3], $0xF7A  }
0x26: {  	[smem:$0x3F9B] =	sst s1;
	(tag) =	ssettag s2;
	_ =	strace s9  }
0x27: {  	s1 =	sld [smem:$0x3FAB]  }
0x28: {  	s2 =	sld [smem:$0x3FAC]  }
0x29: {  	s4 =	sld [smem:$0x3FAE]  }
0x2a: {  	p0 =	seq.s32 s5, $0x0;
	s5 =	sld [smem:$0x3FAF]  }
0x2b: {  	s6 =	sld [smem:$0x3FB0]  }
0x2c: {  	s7 =	sld [smem:$0x3FB1]  }
0x2d: {  	s3 =	simm.s32 $0x108;
	s8 =	sld [smem:$0x3FB2]  }
0x2e: {  	s3 =	simm.s32 @!p0 $0x1082;
	s9 =	sld [smem:$0x3FB3]  }
0x2f: {  	lr =	sadd.s32 s0, s3;
	s0 =	sld [smem:$0x3FAA]  }
0x30: {  	s3 =	sld [smem:$0x3FAD]  }
0x31: {  	[smem:$0x3FB6] =	sst s10  }
0x32: {  	s10 =	sld [smem:$0x3FB4];
	_ =	sdelay $0x3  }
0x33: {  	p0 =	seq.s32 s10, $0x1;
	s10 =	sld [smem:$0x3FB6];
	_ =	sdelay $0x3  }
0x34: {  	[smem:$0x3FB6] =	sst s10  }
0x35: {  	s10 =	sld [smem:$0x3FB5];
	_ =	sdelay $0x3  }
0x36: {  	p1 =	seq.s32 s10, $0x1;
	s10 =	sld [smem:$0x3FB6];
	_ =	sdelay $0x3  }
0x37: {  	[smem:$0x3FB6] =	sst s10  }
0x38: {  	s10 =	sld [smem:$0x3FB7]  }
0x39: {  	_ = 	snop;
	(pc) =	sbr.ind lr, $3  }
0x3a: {  	_ = 	snop  }
0x3b: {  	_ = 	snop  }
0x3c: {  	p2 =	seq.s32 s10, $0x1;
	s10 =	sld [smem:$0x3FB6]  }
0x3d: {  	_ =	shalt  }
0x3e: {  	_ =	shalt  }
0x3f: {  	_ =	shalt  }
0x40: {  	_ =	shalt  }
0x41: {  	_ =	shalt  }
0x42: {  	_ =	shalt  }
0x43: {  	_ =	shalt  }
0x44: {  	_ =	shalt  }
0x45: {  	_ =	shalt  }
0x46: {  	_ =	shalt  }
0x47: {  	_ =	shalt  }
0x48: {  	_ =	shalt  }
0x49: {  	_ =	shalt  }
0x4a: {  	_ =	shalt  }
0x4b: {  	_ =	shalt  }
0x4c: {  	_ =	shalt  }
0x4d: {  	_ =	shalt  }
0x4e: {  	_ =	shalt  }
0x4f: {  	_ =	shalt  }
0x50: {  	_ =	shalt  }
0x51: {  	_ =	shalt  }
0x52: {  	_ =	shalt  }
0x53: {  	_ =	shalt  }
0x54: {  	_ =	shalt  }
0x55: {  	_ =	shalt  }
0x56: {  	_ =	shalt  }
0x57: {  	_ =	shalt  }
0x58: {  	_ =	shalt  }
0x59: {  	_ =	shalt  }
0x5a: {  	_ =	shalt  }
0x5b: {  	_ =	shalt  }
0x5c: {  	_ =	shalt  }
0x5d: {  	_ =	shalt  }
0x5e: {  	_ =	shalt  }
0x5f: {  	_ =	shalt  }
0x60: {  	_ =	shalt  }
0x61: {  	_ =	shalt  }
0x62: {  	_ =	shalt  }
0x63: {  	_ =	shalt  }
0x64: {  	_ =	shalt  }
0x65: {  	_ =	shalt  }
0x66: {  	_ =	shalt  }
0x67: {  	_ =	shalt  }
0x68: {  	_ =	shalt  }
0x69: {  	_ =	shalt  }
0x6a: {  	_ =	shalt  }
0x6b: {  	_ =	shalt  }
0x6c: {  	_ =	shalt  }
0x6d: {  	_ =	shalt  }
0x6e: {  	_ =	shalt  }
0x6f: {  	_ =	shalt  }
0x70: {  	_ =	shalt  }
0x71: {  	_ =	shalt  }
0x72: {  	_ =	shalt  }
0x73: {  	_ =	shalt  }
0x74: {  	_ =	shalt  }
0x75: {  	_ =	shalt  }
0x76: {  	_ =	shalt  }
0x77: {  	_ =	shalt  }
0x78: {  	_ =	shalt  }
0x79: {  	_ =	shalt  }
0x7a: {  	_ =	shalt  }
0x7b: {  	_ =	shalt  }
0x7c: {  	_ =	shalt  }
0x7d: {  	_ =	shalt  }
0x7e: {  	_ =	shalt  }
0x7f: {  	_ =	shalt  }
0x80: {  	_ =	shalt  }
0x81: {  	_ =	shalt  }
0x82: {  	_ =	shalt  }
0x83: {  	_ =	shalt  }
0x84: {  	_ =	shalt  }
0x85: {  	_ =	shalt  }
0x86: {  	_ =	shalt  }
0x87: {  	_ =	shalt  }
.Lfunc_end0:
.L_simem_size_0:
called_computation.1_lowered:
.L_overlay_start_0:
0x88: {  	s2 =	sld [smem:$0x3FD9]  }
0x89: {  	s3 =	sld [smem:$0x3FFE];
	_ =	sdelay $0x1  }
0x8a: {  	s1 =	srdreg.scid  }
0x8b: {  	s0 =	sand.u32 $0x1, s1  }
0x8c: {  	s14 =	sshll.u32 s0, $0xA;
	s2 =	sadd.s32 s3, s2  }
0x8d: {  	s2 =	sadd.s32 s2, s14  }
0x8e: {  	[smem:$0x3FC2] =	sst s2  }
0x8f: {  	_ = 	snop  }
0x90: {  	s2 =	sld [smem:$0x3FD0];
	_ =	sdelay $0x2  }
0x91: {  	s15 =	simm.s32 $0xA;
	s4 =	simm.s32 $0x10  }
0x92: {  	[smem:s4], [sflag:s15] =	dma.local [hbm:s2], $0x1  }
0x93: {  	_ =	swait.eq [sflag:s15], $0x1  }
0x94: {  	[sflag:s15] =	ssyncset.done $0x0  }
0x95: {  	s16 =	sld [smem:$0x10];
	[sflag:s15] =	ssyncadd.s32 $0xFFFFFFFF  }
0x96: {  	s17 =	sld [smem:$0x11];
	(tm) =	ssettm $0x1  }
0x97: {  	s18 =	sld [smem:$0x3FFB];
	_ =	sdelay $0x3  }
0x98: {  	_ =	strace s18  }
0x99: {  	s4 =	sld [smem:$0x3FFC];
	_ =	sdelay $0x3  }
0x9a: {  	_ =	strace s4  }
0x9b: {  	s4 =	sld [smem:$0x3FFD];
	_ =	sdelay $0x3  }
0x9c: {  	_ =	strace s4  }
0x9d: {  	_ =	strace $0x8FFFFFFF  }
0x9e: {  	s19 =	sld [smem:$0x3FDB];
	_ =	sdelay $0x1  }
0x9f: {  	s5 =	simm.s32 $_scs_section_size  }
0xa0: {  	s6 =	simm.s32 $_size__tile_overlayer_lowered;
	s7 =	simm.s32 $_tile_overlayer_lowered  }
0xa1: {  	s22 =	simm.s32 $0x1BFF;
	s21 =	sshll.u32 s7, $0x1;
	s4 =	sadd.s32 s5, s19  }
0xa2: {  	s8 =	simm.s32 $0x0;
	s20 =	sshll.u32 s6, $0x1;
	s6 =	sadd.s32 s21, s4  }
0xa3: {  	[timem:s8], [sflag:s22] =	dma.local [hbm:s6], s20  }
0xa4: {  	_ =	swait.ge [sflag:s22], s20  }
0xa5: {  	s5 =	ssub.s32 $0x0, s20;
	[sflag:s22] =	ssyncset.done $0x0  }
0xa6: {  	[sflag:s22] =	ssyncadd.s32 s5;
	_ =	sdelay $0x1  }
0xa7: {  	s23 =	simm.s32 $0x1B8B  }
0xa8: {  	_ =	swait.ge [sflag:s23], $0x1  }
0xa9: {  	[sflag:s23] =	ssyncset.done $0x0  }
0xaa: {  	s25 =	simm.s32 $0x1B8E;
	s24 =	sld [smem:$0x3FFE];
	[sflag:s23] =	ssyncadd.s32 $0xFFFFFFFF  }
0xab: {  	s26 =	simm.s32 $execute0_lowered;
	[smem:$0x3FD2] =	sst s25  }
0xac: {  	s6 =	sshll.u32 s26, $0x1;
	_ =	strace $0x80000049;
	[dreg:$0x1] =	wrdreg $0xFFFFFFFF  }
0xad: {  	s28 =	simm.s32 $_size_execute0_lowered;
	s4 =	sadd.s32 s4, s6;
	[dreg:$0x0] =	wrdreg $0x0  }
0xae: {  	s6 =	sshll.u32 s28, $0x1;
	[dreg:$0x2] =	wrdreg s4  }
0xaf: {  	[dreg:$0x3] =	wrdreg s6  }
0xb0: {  	[dreg:$0x4] =	wrdreg $0xC0  }
0xb1: {  	_ =	task [dreg:s8], $0x5FFFF  }
0xb2: {  	[dreg:$0x1] =	wrdreg $0xFFFFFFFF  }
0xb3: {  	[dreg:$0x0] =	wrdreg $0x60  }
0xb4: {  	[dreg:$0x2] =	wrdreg s17  }
0xb5: {  	[dreg:$0x3] =	wrdreg s24  }
0xb6: {  	[dreg:$0x4] =	wrdreg s16  }
0xb7: {  	[dreg:$0x5] =	wrdreg $0xB7800  }
0xb8: {  	[dreg:$0x6] =	wrdreg $0x9  }
0xb9: {  	_ =	task.clear_ibuf [dreg:s8], $0x7FFFF;
	_ =	strace $0x90000049  }
0xba: {  	s29 =	simm.s32 $0x9;
	_ =	strace $0x8000004B  }
0xbb: {  	_ =	swait.ge [sflag:s29], $0x1  }
0xbc: {  	[sflag:s29] =	ssyncadd.s32 $0xFFFFFFFF  }
0xbd: {  	_ =	strace $0x9000004B  }
0xbe: {  	_ =	sfence  }
0xbf: {  	s30 =	sld [smem:$0x0];
	_ =	sdelay $0x2  }
0xc0: {  	s31 =	sshll.u32 s1, $0xD;
	s1 =	sshrl.u32 s1, $0x2  }
0xc1: {  	s3 =	sand.u32 $0x4000, s31;
	s1 =	sadd.s32 s1, s30  }
0xc2: {  	s0 =	sor.u32 s3, s0;
	s1 =	sshll.u32 s1, $0x11  }
0xc3: {  	s0 =	sor.u32 s1, s0  }
0xc4: {  	s0 =	sadd.s32 $0x8F2B, s0  }
0xc5: {  	[sflag:s0] =	ssyncadd.remote.s32 $0x1  }
0xc6: {  	_ =	sfence.sel $0xFFFF  }
0xc7: {  	[dreg:$0x0] =	wrdreg $0xFFFFFFFF;
	(pc) =	sbr.abs _section_cstart, $3  }
0xc8: {  	[dreg:$0x1] =	wrdreg $0xFFFFFFFF  }
0xc9: {  	_ =	task.clear_ibuf [dreg:s8], $0x2FFFF;
	_ =	strace $0x9FFFFFFF  }
0xca: {  	(tm) =	ssettm $0x7FFFFFFF  }
0xcb: {  	_ =	shalt  }
tec
execute0_lowered:
.L_overlay_start_1:
0x0: {  	(tag) =	ssettag $0x1  }
0x1: {  	s1 =	rddreg [dreg:$0x0]  }
0x2: {  	s5 =	rddreg [dreg:$0x1]  }
0x3: {  	s6 =	rddreg [dreg:$0x2]  }
0x4: {  	s2 =	rddreg [dreg:$0x3];
	s3 =	srdreg.scid  }
0x5: {  	s4 =	simm.s32 $0x0;
	s0 =	stileid.u32;
	s17 =	simm.s32 $0x5000  }
0x6: {  	s18 =	simm.s32 $0x3;
	s19 =	simm.s32 $0x7780;
	s20 =	simm.s32 $0x2800  }
0x7: {  	s21 =	simm.s32 $0x50;
	s22 =	simm.s32 $0x1;
	s23 =	simm.s32 $0x2  }
0x8: {  	s24 =	simm.s32 $0x76C0;
	s25 =	simm.s32 $0xB580;
	s10 =	smul.u32 $0x14000, s0  }
0x9: {  	s26 =	simm.s32 $0x0;
	s7 =	sand.u32 $0x1, s3;
	s12 =	smul.u32 $0x50000, s0  }
0xa: {  	[smem:$0x7FF] =	sst s4;
	s8 =	smul.u32 $0x140000, s7;
	s9 =	sshll.u32 s7, $0x4  }
0xb: {  	_ =	strace $0x8000004A;
	s7 =	ssub.s32 $0x2, s7;
	s9 =	sor.u32 s0, s9  }
0xc: {  	s29 =	sshrl.u32 s7, $0x1;
	s31 =	sshrl.u32 s12, $0x2;
	s8 =	sadd.s32 s10, s8  }
0xd: {  	s11 =	smul.u32 $0x4E2, s9;
	s30 =	sshll.u32 s9, $0xB;
	s8 =	sshrl.u32 s8, $0x3  }
0xe: {  	s10 =	ssub.s32 s7, s29;
	s6 =	sadd.s32 s6, s30;
	s8 =	sadd.s32 s8, s5  }
0xf: {  	s11 =	sadd.s32 s11, s5;
	s7 =	sadd.s32 $0xC000, s8;
	s8 =	sadd.s32 s31, s2  }
0x10: {  	s9 =	smax.u32 s10, $0x1;
	s5 =	sadd.s32 $0x2200, s11;
	s10 =	sadd.s32 $0x2800, s8  }
0x11: {  	s11 =	sadd.s32 $0x5000, s8;
	s12 =	sadd.s32 $0x7800, s8;
	s13 =	sadd.s32 $0xA000, s8  }
0x12: {  	v0 =	vimm.f32 $0.0e+00;
	s14 =	sadd.s32 $0xC800, s8;
	s15 =	sadd.s32 $0xF000, s8;
	s16 =	sadd.s32 $0x11800, s8  }
.LBB2_1:
0x13: {  	[tilespmem:s17], [sflag:$0x3] =	stream.linear.gather [hbm4b:s5+s4], $0x2710, $0x38;
	[tilespmem:$0x1F780] =	vst v63  }
0x14: {  	_ =	swait.ge [sflag:s18], $0x2710  }
0x15: {  	[sflag:s18] =	ssyncset.done $0x0  }
0x16: {  	[sflag:s18] =	ssyncadd.s32 $0xFFFFD8F0  }
0x17: {  	[tilespmem:s19], [sflag:$0x3] =	stream.linear.gather [hbm4b:s6+s4], $0x3E80, $0x38;
	[tilespmem:$0x1F780] =	vst v63  }
0x18: {  	_ =	swait.ge [sflag:s18], $0x3E80  }
0x19: {  	[sflag:s18] =	ssyncset.done $0x0  }
0x1a: {  	s28 =	simm.s32 $0x0;
	s29 =	simm.s32 $0x200;
	[sflag:s18] =	ssyncadd.s32 $0xFFFFC180  }
.LBB2_2:
0x1b: {  	p0 =	sne.s32 s29, $0x9E00;
	[tilespmem:s28+$0x2870] =	vst v0  }
0x1c: {  	[tilespmem:s28+$0x2800] =	vst v0  }
0x1d: {  	[tilespmem:s28+$0x2810] =	vst v0  }
.Ltmp0:
0x1e: {  	[tilespmem:s28+$0x2820] =	vst v0;
	(pc) =	sbr.rel @p0 .LBB2_2-.Ltmp0, $4  }
0x1f: {  	[tilespmem:s28+$0x2830] =	vst v0  }
0x20: {  	[tilespmem:s28+$0x2840] =	vst v0  }
0x21: {  	[tilespmem:s28+$0x2850] =	vst v0  }
0x22: {  	[tilespmem:s28+$0x2860] =	vst v0;
	s28 =	sshra.s32 s29, $0x2;
	s29 =	sadd.s32 $0x200, s29  }
0x23: {  	[tilespmem:s28+$0x2870] =	vst v0  }
0x24: {  	[tilespmem:s28+$0x2800] =	vst v0  }
0x25: {  	[tilespmem:s28+$0x2810] =	vst v0  }
0x26: {  	[tilespmem:s28+$0x2820] =	vst v0  }
0x27: {  	[tilespmem:s28+$0x2830] =	vst v0  }
0x28: {  	[tilespmem:s28+$0x2840] =	vst v0  }
0x29: {  	[tilespmem:s28+$0x2850] =	vst v0  }
0x2a: {  	[tilespmem:s28+$0x2860] =	vst v0  }
0x2b: {  	[spmem:s8] =	stream.linear.scatter [tilespmem:s20], [sflag:$0x3], $0x2800, $0x38;
	[tilespmem:$0x1F780] =	vst v63  }
0x2c: {  	_ =	swait.ge [sflag:s18], $0x2800  }
0x2d: {  	[sflag:s18] =	ssyncset.done $0x0  }
0x2e: {  	[sflag:s18] =	ssyncadd.s32 $0xFFFFD800  }
0x2f: {  	[spmem:s10] =	stream.linear.scatter [tilespmem:s20], [sflag:$0x3], $0x2800, $0x38;
	[tilespmem:$0x1F780] =	vst v63  }
0x30: {  	_ =	swait.ge [sflag:s18], $0x2800  }
0x31: {  	[sflag:s18] =	ssyncset.done $0x0  }
0x32: {  	[sflag:s18] =	ssyncadd.s32 $0xFFFFD800  }
0x33: {  	[spmem:s11] =	stream.linear.scatter [tilespmem:s20], [sflag:$0x3], $0x2800, $0x38;
	[tilespmem:$0x1F780] =	vst v63  }
0x34: {  	_ =	swait.ge [sflag:s18], $0x2800  }
0x35: {  	[sflag:s18] =	ssyncset.done $0x0  }
0x36: {  	[sflag:s18] =	ssyncadd.s32 $0xFFFFD800  }
0x37: {  	[spmem:s12] =	stream.linear.scatter [tilespmem:s20], [sflag:$0x3], $0x2800, $0x38;
	[tilespmem:$0x1F780] =	vst v63  }
0x38: {  	_ =	swait.ge [sflag:s18], $0x2800  }
0x39: {  	[sflag:s18] =	ssyncset.done $0x0  }
0x3a: {  	[sflag:s18] =	ssyncadd.s32 $0xFFFFD800  }
0x3b: {  	[spmem:s13] =	stream.linear.scatter [tilespmem:s20], [sflag:$0x3], $0x2800, $0x38;
	[tilespmem:$0x1F780] =	vst v63  }
0x3c: {  	_ =	swait.ge [sflag:s18], $0x2800  }
0x3d: {  	[sflag:s18] =	ssyncset.done $0x0  }
0x3e: {  	[sflag:s18] =	ssyncadd.s32 $0xFFFFD800  }
0x3f: {  	[spmem:s14] =	stream.linear.scatter [tilespmem:s20], [sflag:$0x3], $0x2800, $0x38;
	[tilespmem:$0x1F780] =	vst v63  }
0x40: {  	_ =	swait.ge [sflag:s18], $0x2800  }
0x41: {  	[sflag:s18] =	ssyncset.done $0x0  }
0x42: {  	[sflag:s18] =	ssyncadd.s32 $0xFFFFD800  }
0x43: {  	[spmem:s15] =	stream.linear.scatter [tilespmem:s20], [sflag:$0x3], $0x2800, $0x38;
	[tilespmem:$0x1F780] =	vst v63  }
0x44: {  	_ =	swait.ge [sflag:s18], $0x2800  }
0x45: {  	[sflag:s18] =	ssyncset.done $0x0  }
0x46: {  	[sflag:s18] =	ssyncadd.s32 $0xFFFFD800  }
0x47: {  	[spmem:s16] =	stream.linear.scatter [tilespmem:s20], [sflag:$0x3], $0x2800, $0x38;
	[tilespmem:$0x1F780] =	vst v63  }
0x48: {  	_ =	swait.ge [sflag:s18], $0x2800  }
0x49: {  	[sflag:s18] =	ssyncset.done $0x0  }
0x4a: {  	[sflag:s18] =	ssyncadd.s32 $0xFFFFD800  }
0x4b: {  	s28 =	simm.s32 $0x5000;
	[bflag:$0x0] =	sbarrier.arrive $0xFFFF  }
0x4c: {  	[tilespmem:s4], [sflag:$0x1] =	stream.indirect.gather [hbm4b:s1+s21], $0x80, s28, s21, $0xb8;
	[tilespmem:$0x1F780] =	vst v63  }
0x4d: {  	s28 =	simm.s32 $0x5050  }
0x4e: {  	[tilespmem:s20], [sflag:$0x2] =	stream.indirect.gather [hbm4b:s1+s21], $0x80, s28, s21, $0xb8;
	[tilespmem:$0x1F780] =	vst v63  }
0x4f: {  	_ =	swait.ge [sflag:s22], $0x2800  }
0x50: {  	[sflag:s22] =	ssyncset.done $0x0  }
0x51: {  	s28 =	simm.s32 $0x7780;
	[sflag:s22] =	ssyncadd.s32 $0xFFFFD800  }
0x52: {  	[spmem:s2] =	stream.indirect.scatter.add.f32 [tilespmem:s4], [sflag:$0x3], $0x80, s28, s21, $0xb8;
	[tilespmem:$0x1F780] =	vst v63  }
0x53: {  	_ =	swait.ge [sflag:s18], $0x2800  }
0x54: {  	[sflag:s18] =	ssyncset.done $0x0  }
0x55: {  	[sflag:s18] =	ssyncadd.s32 $0xFFFFD800  }
0x56: {  	_ =	swait.ge [sflag:s23], $0x2800  }
0x57: {  	[sflag:s23] =	ssyncset.done $0x0  }
0x58: {  	s28 =	simm.s32 $0x7800;
	[sflag:s23] =	ssyncadd.s32 $0xFFFFD800  }
0x59: {  	[spmem:s2] =	stream.indirect.scatter.add.f32 [tilespmem:s20], [sflag:$0x3], $0x80, s28, s21, $0xb8;
	[tilespmem:$0x1F780] =	vst v63  }
0x5a: {  	s30 =	simm.s32 $0x500;
	_ =	swait.ge [sflag:s18], $0x2800  }
0x5b: {  	s29 =	simm.s32 $0xA0;
	s28 =	simm.s32 $0x7880;
	[sflag:s18] =	ssyncset.done $0x0  }
.LBB2_4:
0x5c: {  	s31 =	sadd.s32 $0x5000, s29  }
0x5d: {  	[sflag:s18] =	ssyncadd.s32 $0xFFFFD800;
	s0 =	smov.u32 s30;
	s3 =	sadd.s32 $0x280, s30  }
0x5e: {  	[tilespmem:s4], [sflag:$0x1] =	stream.indirect.gather [hbm4b:s1+s21], $0x80, s31, s21, $0xb8;
	[tilespmem:$0x1F780] =	vst v63  }
0x5f: {  	p0 =	sne.s32 s30, $0x9880;
	s29 =	sadd.s32 $0x5050, s29  }
0x60: {  	[tilespmem:s20], [sflag:$0x2] =	stream.indirect.gather [hbm4b:s1+s21], $0x80, s29, s21, $0xb8;
	[tilespmem:$0x1F780] =	vst v63  }
0x61: {  	_ =	swait.ge [sflag:s22], $0x2800  }
0x62: {  	[sflag:s22] =	ssyncset.done $0x0  }
0x63: {  	[sflag:s22] =	ssyncadd.s32 $0xFFFFD800  }
0x64: {  	[spmem:s2] =	stream.indirect.scatter.add.f32 [tilespmem:s4], [sflag:$0x3], $0x80, s28, s21, $0xb8;
	[tilespmem:$0x1F780] =	vst v63  }
0x65: {  	_ =	swait.ge [sflag:s18], $0x2800  }
0x66: {  	[sflag:s18] =	ssyncset.done $0x0  }
0x67: {  	[sflag:s18] =	ssyncadd.s32 $0xFFFFD800  }
0x68: {  	_ =	swait.ge [sflag:s23], $0x2800  }
.Ltmp1:
0x69: {  	[sflag:s23] =	ssyncset.done $0x0;
	(pc) =	sbr.rel @p0 .LBB2_4-.Ltmp1, $4  }
0x6a: {  	s29 =	sadd.s32 $0x80, s28;
	[sflag:s23] =	ssyncadd.s32 $0xFFFFD800  }
0x6b: {  	[spmem:s2] =	stream.indirect.scatter.add.f32 [tilespmem:s20], [sflag:$0x3], $0x80, s29, s21, $0xb8;
	[tilespmem:$0x1F780] =	vst v63  }
0x6c: {  	s30 =	smov.u32 s3;
	_ =	swait.ge [sflag:s18], $0x2800  }
0x6d: {  	s28 =	sadd.s32 $0x100, s28;
	s29 =	sshra.s32 s0, $0x2;
	[sflag:s18] =	ssyncset.done $0x0  }
0x6e: {  	s0 =	sadd.s32 $0x5000, s29;
	[sflag:s18] =	ssyncadd.s32 $0xFFFFD800  }
0x6f: {  	[tilespmem:s4], [sflag:$0x1] =	stream.indirect.gather [hbm4b:s1+s21], $0x80, s0, s21, $0xb8;
	[tilespmem:$0x1F780] =	vst v63  }
0x70: {  	s29 =	sadd.s32 $0x5050, s29  }
0x71: {  	[tilespmem:s20], [sflag:$0x2] =	stream.indirect.gather [hbm4b:s1+s21], $0x80, s29, s21, $0xb8;
	[tilespmem:$0x1F780] =	vst v63  }
0x72: {  	_ =	swait.ge [sflag:s22], $0x2800  }
0x73: {  	[sflag:s22] =	ssyncset.done $0x0  }
0x74: {  	[sflag:s22] =	ssyncadd.s32 $0xFFFFD800  }
0x75: {  	[spmem:s2] =	stream.indirect.scatter.add.f32 [tilespmem:s4], [sflag:$0x3], $0x80, s28, s21, $0xb8;
	[tilespmem:$0x1F780] =	vst v63  }
0x76: {  	_ =	swait.ge [sflag:s18], $0x2800  }
0x77: {  	[sflag:s18] =	ssyncset.done $0x0  }
0x78: {  	[sflag:s18] =	ssyncadd.s32 $0xFFFFD800  }
0x79: {  	_ =	swait.ge [sflag:s23], $0x2800  }
0x7a: {  	[sflag:s23] =	ssyncset.done $0x0  }
0x7b: {  	s30 =	sadd.s32 $0x80, s28;
	[sflag:s23] =	ssyncadd.s32 $0xFFFFD800  }
0x7c: {  	[spmem:s2] =	stream.indirect.scatter.add.f32 [tilespmem:s20], [sflag:$0x3], $0x80, s30, s21, $0xb8;
	[tilespmem:$0x1F780] =	vst v63  }
0x7d: {  	_ =	swait.ge [sflag:s18], $0x2800  }
0x7e: {  	[sflag:s18] =	ssyncset.done $0x0  }
0x7f: {  	[sflag:s18] =	ssyncadd.s32 $0xFFFFD800  }
0x80: {  	[tilespmem:s4], [sflag:$0x1] =	stream.indirect.gather [hbm4b:s1+s21], $0x80, s24, s21, $0xb8;
	[tilespmem:$0x1F780] =	vst v63  }
0x81: {  	_ =	swait.ge [sflag:s22], $0x2800  }
0x82: {  	[sflag:s22] =	ssyncset.done $0x0  }
0x83: {  	[sflag:s22] =	ssyncadd.s32 $0xFFFFD800  }
0x84: {  	[spmem:s2] =	stream.indirect.scatter.add.f32 [tilespmem:s4], [sflag:$0x3], $0x80, s25, s21, $0xb8;
	[tilespmem:$0x1F780] =	vst v63  }
0x85: {  	s31 =	stileid.u32;
	_ =	swait.ge [sflag:s18], $0x2800  }
0x86: {  	s3 =	sshrl.u32 s8, $0x3;
	s26 =	sadd.s32 $0x1, s26;
	[sflag:s18] =	ssyncset.done $0x0  }
0x87: {  	s0 =	sshll.u32 s31, $0x6;
	p0 =	sne.s32 s26, s9;
	[sflag:s18] =	ssyncadd.s32 $0xFFFFD800  }
.Ltmp2:
0x88: {  	s0 =	sor.u32 $0x1C03, s0;
	[bflag:$0x0] =	sbarrier.arrive $0xFFFF;
	(pc) =	sbr.rel @p0 .LBB2_1-.Ltmp2, $4  }
0x89: {  	[hbm:s7], [sflag:s0] =	dma.local [spmem:s3], $0x2800  }
0x8a: {  	_ =	swait.ge [sflag:s18], $0x2800  }
0x8b: {  	[sflag:s18] =	ssyncset.done $0x0  }
0x8c: {  	[sflag:s18] =	ssyncadd.s32 $0xFFFFD800  }
0x8d: {  	_ =	sfence.sel $0x180000  }
0x8e: {  	[bflag:$0x0] =	sbarrier.arrive $0xFFFF  }
0x8f: {  	_ =	strace $0x9000004A  }
0x90: {  	s0 =	stileid.u32;
	[bflag:$0x2] =	sbarrier.arrive $0xFFFF  }
0x91: {  	p0 =	sne.s32 s0, $0x0;
	s0 =	rddreg [dreg:$0x4]  }
0x92: {  	s0 =	sadd.s32 @!p0 $0x100000, s0  }
0x93: {  	[sflag:s0] =	ssyncadd.tile.s32 @!p0 $0x1;
	_ =	shalt  }
.Lfunc_end2:
_tile_overlayer_lowered:
.L_overlay_start_2:
0x94: {  	(tag) =	ssettag $0x2  }
0x95: {  	s0 =	rddreg [dreg:$0x0];
	s2 =	stileid.u32  }
0x96: {  	s1 =	rddreg [dreg:$0x1];
	p0 =	sne.s32 s2, $0x0  }
0x97: {  	s3 =	rddreg [dreg:$0x2];
	[bflag:$0x3] =	sbarrier.arrive $0xFFFF;
	s2 =	simm.s32 @!p0 $0x1C03  }
0x98: {  	[timem:s3], [sflag:s2] =	dma.local @!p0 [hbm:s0], s1  }
0x99: {  	s0 =	simm.s32 @!p0 $0x3  }
0x9a: {  	_ =	swait.ge @!p0 [sflag:s0], s1  }
0x9b: {  	s1 =	ssub.s32 @!p0 $0x0, s1;
	[sflag:s0] =	ssyncset.done @!p0 $0x0  }
0x9c: {  	[sflag:s0] =	ssyncadd.s32 @!p0 s1  }
0x9d: {  	[bflag:$0x3] =	sbarrier.arrive $0xFFFF  }
0x9e: {  	_ =	shalt  }

// kernel: kernel.14.cloned.1.call-start
scs
__scs_entry_jumppad:
0x0: {  	(pc) =	sbr.rel $0x88, $3  }
0x1: {  	(tag) =	ssettag $0x0;
	lr =	simm.s32 $0x1  }
0x2: {  	[smem:$0x3F9B] =	sst lr;
	_ =	strace $0xD0000000  }
0x3: {  	_ = 	snop  }
0x4: {  	_ = 	snop  }
0x5: {  	_ = 	snop  }
0x6: {  	_ = 	snop  }
0x7: {  	_ = 	snop  }
__scs_overlays_trampoline_lowered:
0x8: {  	[smem:$0x3FAA] =	sst s0  }
0x9: {  	[smem:$0x3FAB] =	sst s1  }
0xa: {  	[smem:$0x3FAC] =	sst s2  }
0xb: {  	[smem:$0x3FAD] =	sst s3  }
0xc: {  	[smem:$0x3FAE] =	sst s4  }
0xd: {  	[smem:$0x3FAF] =	sst s5  }
0xe: {  	[smem:$0x3FB0] =	sst s6  }
0xf: {  	[smem:$0x3FB1] =	sst s7  }
0x10: {  	[smem:$0x3FB2] =	sst s8  }
0x11: {  	[smem:$0x3FB3] =	sst s9;
	s0 =	simm.s32 @!p0 $0x0  }
0x12: {  	s1 =	sld [smem:$0x3F99];
	s0 =	simm.s32 @p0 $0x1  }
0x13: {  	[smem:$0x3FB4] =	sst s0;
	s0 =	simm.s32 @!p1 $0x0  }
0x14: {  	s2 =	sld [smem:$0x3F98];
	s0 =	simm.s32 @p1 $0x1  }
0x15: {  	[smem:$0x3FB5] =	sst s0;
	s0 =	simm.s32 @!p2 $0x0  }
0x16: {  	s3 =	sld [smem:$0x3FDB];
	s0 =	simm.s32 @p2 $0x1  }
0x17: {  	s4 =	simm.s32 $0x1BF5;
	[smem:$0x3FB7] =	sst s0  }
0x18: {  	s0 =	sld [smem:$0x3F9A];
	_ =	swait.ge [sflag:s4], $0x0  }
0x19: {  	s7 =	sld [smem:$0x3F9B]  }
0x1a: {  	s8 =	sadd.s32 $0xFFFFE003, lr  }
0x1b: {  	s9 =	sadd.s32 $0xFFFFFEF7, lr;
	s5 =	simm.s32 $0xFFFFFFFF;
	p2 =	slt.u32 s8, $0xFFFFF086  }
0x1c: {  	p1 =	slt.u32 s9, $0xF7A;
	s5 =	simm.s32 @!p2 $0x0  }
0x1d: {  	s5 =	simm.s32 @p1 $0x1;
	p0 =	seq.s32 s7, s2  }
0x1e: {  	s7 =	smul.u32 @!p0 $0xF7A, s2;
	p2 =	seq.s32 @!p0 s5, $0x0  }
0x1f: {  	s9 =	smul.u32 $0xF7A, s1;
	s8 =	simm.s32 @!p0 $0x1BF5;
	p2 =	por !p2, p0  }
0x20: {  	[sflag:s8] =	ssyncset.s32 @!p0 $0xFFFFF086;
	s6 =	sadd.s32 @!p0 s3, s7;
	s7 =	simm.s32 @!p0 $0x108  }
0x21: {  	s3 =	sadd.s32 s3, s9;
	s6 =	sadd.s32 @!p0 $0x88, s6;
	s7 =	simm.s32 @p2 $0x1082  }
0x22: {  	[simem:s7], [sflag:s8] =	dma.local @!p0 [hbm:s6], $0xF7A  }
0x23: {  	s9 =	sor.u32 $0xD0000000, s2;
	s6 =	simm.s32 $0x108;
	_ =	swait.ge @!p0 [sflag:s8], $0x0  }
0x24: {  	s3 =	sadd.s32 $0x88, s3;
	s6 =	simm.s32 @!p1 $0x1082;
	[sflag:s4] =	ssyncset.s32 $0xFFFFF086  }
0x25: {  	[simem:s6], [sflag:s4] =	dma.local [hbm:s3], $0xF7A  }
0x26: {  	[smem:$0x3F9B] =	sst s1;
	(tag) =	ssettag s2;
	_ =	strace s9  }
0x27: {  	s1 =	sld [smem:$0x3FAB]  }
0x28: {  	s2 =	sld [smem:$0x3FAC]  }
0x29: {  	s4 =	sld [smem:$0x3FAE]  }
0x2a: {  	p0 =	seq.s32 s5, $0x0;
	s5 =	sld [smem:$0x3FAF]  }
0x2b: {  	s6 =	sld [smem:$0x3FB0]  }
0x2c: {  	s7 =	sld [smem:$0x3FB1]  }
0x2d: {  	s3 =	simm.s32 $0x108;
	s8 =	sld [smem:$0x3FB2]  }
0x2e: {  	s3 =	simm.s32 @!p0 $0x1082;
	s9 =	sld [smem:$0x3FB3]  }
0x2f: {  	lr =	sadd.s32 s0, s3;
	s0 =	sld [smem:$0x3FAA]  }
0x30: {  	s3 =	sld [smem:$0x3FAD]  }
0x31: {  	[smem:$0x3FB6] =	sst s10  }
0x32: {  	s10 =	sld [smem:$0x3FB4];
	_ =	sdelay $0x3  }
0x33: {  	p0 =	seq.s32 s10, $0x1;
	s10 =	sld [smem:$0x3FB6];
	_ =	sdelay $0x3  }
0x34: {  	[smem:$0x3FB6] =	sst s10  }
0x35: {  	s10 =	sld [smem:$0x3FB5];
	_ =	sdelay $0x3  }
0x36: {  	p1 =	seq.s32 s10, $0x1;
	s10 =	sld [smem:$0x3FB6];
	_ =	sdelay $0x3  }
0x37: {  	[smem:$0x3FB6] =	sst s10  }
0x38: {  	s10 =	sld [smem:$0x3FB7]  }
0x39: {  	_ = 	snop;
	(pc) =	sbr.ind lr, $3  }
0x3a: {  	_ = 	snop  }
0x3b: {  	_ = 	snop  }
0x3c: {  	p2 =	seq.s32 s10, $0x1;
	s10 =	sld [smem:$0x3FB6]  }
0x3d: {  	_ =	shalt  }
0x3e: {  	_ =	shalt  }
0x3f: {  	_ =	shalt  }
0x40: {  	_ =	shalt  }
0x41: {  	_ =	shalt  }
0x42: {  	_ =	shalt  }
0x43: {  	_ =	shalt  }
0x44: {  	_ =	shalt  }
0x45: {  	_ =	shalt  }
0x46: {  	_ =	shalt  }
0x47: {  	_ =	shalt  }
0x48: {  	_ =	shalt  }
0x49: {  	_ =	shalt  }
0x4a: {  	_ =	shalt  }
0x4b: {  	_ =	shalt  }
0x4c: {  	_ =	shalt  }
0x4d: {  	_ =	shalt  }
0x4e: {  	_ =	shalt  }
0x4f: {  	_ =	shalt  }
0x50: {  	_ =	shalt  }
0x51: {  	_ =	shalt  }
0x52: {  	_ =	shalt  }
0x53: {  	_ =	shalt  }
0x54: {  	_ =	shalt  }
0x55: {  	_ =	shalt  }
0x56: {  	_ =	shalt  }
0x57: {  	_ =	shalt  }
0x58: {  	_ =	shalt  }
0x59: {  	_ =	shalt  }
0x5a: {  	_ =	shalt  }
0x5b: {  	_ =	shalt  }
0x5c: {  	_ =	shalt  }
0x5d: {  	_ =	shalt  }
0x5e: {  	_ =	shalt  }
0x5f: {  	_ =	shalt  }
0x60: {  	_ =	shalt  }
0x61: {  	_ =	shalt  }
0x62: {  	_ =	shalt  }
0x63: {  	_ =	shalt  }
0x64: {  	_ =	shalt  }
0x65: {  	_ =	shalt  }
0x66: {  	_ =	shalt  }
0x67: {  	_ =	shalt  }
0x68: {  	_ =	shalt  }
0x69: {  	_ =	shalt  }
0x6a: {  	_ =	shalt  }
0x6b: {  	_ =	shalt  }
0x6c: {  	_ =	shalt  }
0x6d: {  	_ =	shalt  }
0x6e: {  	_ =	shalt  }
0x6f: {  	_ =	shalt  }
0x70: {  	_ =	shalt  }
0x71: {  	_ =	shalt  }
0x72: {  	_ =	shalt  }
0x73: {  	_ =	shalt  }
0x74: {  	_ =	shalt  }
0x75: {  	_ =	shalt  }
0x76: {  	_ =	shalt  }
0x77: {  	_ =	shalt  }
0x78: {  	_ =	shalt  }
0x79: {  	_ =	shalt  }
0x7a: {  	_ =	shalt  }
0x7b: {  	_ =	shalt  }
0x7c: {  	_ =	shalt  }
0x7d: {  	_ =	shalt  }
0x7e: {  	_ =	shalt  }
0x7f: {  	_ =	shalt  }
0x80: {  	_ =	shalt  }
0x81: {  	_ =	shalt  }
0x82: {  	_ =	shalt  }
0x83: {  	_ =	shalt  }
0x84: {  	_ =	shalt  }
0x85: {  	_ =	shalt  }
0x86: {  	_ =	shalt  }
0x87: {  	_ =	shalt  }
.Lfunc_end0:
.L_simem_size_0:
called_computation.2_lowered:
.L_overlay_start_0:
0x88: {  	s2 =	sld [smem:$0x3FD9]  }
0x89: {  	s3 =	sld [smem:$0x3FFE];
	_ =	sdelay $0x1  }
0x8a: {  	s1 =	srdreg.scid  }
0x8b: {  	s0 =	sand.u32 $0x1, s1  }
0x8c: {  	s14 =	sshll.u32 s0, $0xA;
	s2 =	sadd.s32 s3, s2  }
0x8d: {  	s2 =	sadd.s32 s2, s14  }
0x8e: {  	[smem:$0x3FC2] =	sst s2  }
0x8f: {  	_ = 	snop  }
0x90: {  	s2 =	sld [smem:$0x3FD0];
	_ =	sdelay $0x2  }
0x91: {  	s15 =	simm.s32 $0xA;
	s4 =	simm.s32 $0x10  }
0x92: {  	[smem:s4], [sflag:s15] =	dma.local [hbm:s2], $0x1  }
0x93: {  	_ =	swait.eq [sflag:s15], $0x1  }
0x94: {  	[sflag:s15] =	ssyncset.done $0x0  }
0x95: {  	s16 =	sld [smem:$0x10];
	[sflag:s15] =	ssyncadd.s32 $0xFFFFFFFF  }
0x96: {  	s17 =	sld [smem:$0x11];
	(tm) =	ssettm $0x1  }
0x97: {  	s18 =	sld [smem:$0x3FFB];
	_ =	sdelay $0x3  }
0x98: {  	_ =	strace s18  }
0x99: {  	s4 =	sld [smem:$0x3FFC];
	_ =	sdelay $0x3  }
0x9a: {  	_ =	strace s4  }
0x9b: {  	s4 =	sld [smem:$0x3FFD];
	_ =	sdelay $0x3  }
0x9c: {  	_ =	strace s4  }
0x9d: {  	_ =	strace $0x8FFFFFFF  }
0x9e: {  	s19 =	sld [smem:$0x3FDB];
	_ =	sdelay $0x1  }
0x9f: {  	s5 =	simm.s32 $_scs_section_size  }
0xa0: {  	s6 =	simm.s32 $_size__tile_overlayer_lowered;
	s7 =	simm.s32 $_tile_overlayer_lowered  }
0xa1: {  	s22 =	simm.s32 $0x1BFF;
	s21 =	sshll.u32 s7, $0x1;
	s4 =	sadd.s32 s5, s19  }
0xa2: {  	s8 =	simm.s32 $0x0;
	s20 =	sshll.u32 s6, $0x1;
	s6 =	sadd.s32 s21, s4  }
0xa3: {  	[timem:s8], [sflag:s22] =	dma.local [hbm:s6], s20  }
0xa4: {  	_ =	swait.ge [sflag:s22], s20  }
0xa5: {  	s5 =	ssub.s32 $0x0, s20;
	[sflag:s22] =	ssyncset.done $0x0  }
0xa6: {  	[sflag:s22] =	ssyncadd.s32 s5;
	_ =	sdelay $0x1  }
0xa7: {  	s23 =	simm.s32 $0x1B8B  }
0xa8: {  	_ =	swait.ge [sflag:s23], $0x1  }
0xa9: {  	[sflag:s23] =	ssyncset.done $0x0  }
0xaa: {  	s25 =	simm.s32 $0x1B8E;
	s24 =	sld [smem:$0x3FFE];
	[sflag:s23] =	ssyncadd.s32 $0xFFFFFFFF  }
0xab: {  	s26 =	simm.s32 $execute0_lowered;
	[smem:$0x3FD2] =	sst s25  }
0xac: {  	s6 =	sshll.u32 s26, $0x1;
	_ =	strace $0x8000004C;
	[dreg:$0x1] =	wrdreg $0xFFFFFFFF  }
0xad: {  	s28 =	simm.s32 $_size_execute0_lowered;
	s4 =	sadd.s32 s4, s6;
	[dreg:$0x0] =	wrdreg $0x0  }
0xae: {  	s6 =	sshll.u32 s28, $0x1;
	[dreg:$0x2] =	wrdreg s4  }
0xaf: {  	[dreg:$0x3] =	wrdreg s6  }
0xb0: {  	[dreg:$0x4] =	wrdreg $0xC0  }
0xb1: {  	_ =	task [dreg:s8], $0x5FFFF  }
0xb2: {  	[dreg:$0x1] =	wrdreg $0xFFFFFFFF  }
0xb3: {  	[dreg:$0x0] =	wrdreg $0x60  }
0xb4: {  	[dreg:$0x2] =	wrdreg s17  }
0xb5: {  	[dreg:$0x3] =	wrdreg s24  }
0xb6: {  	[dreg:$0x4] =	wrdreg s16  }
0xb7: {  	[dreg:$0x5] =	wrdreg $0xB7800  }
0xb8: {  	[dreg:$0x6] =	wrdreg $0x9  }
0xb9: {  	_ =	task.clear_ibuf [dreg:s8], $0x7FFFF;
	_ =	strace $0x9000004C  }
0xba: {  	s29 =	simm.s32 $0x9;
	_ =	strace $0x8000004E  }
0xbb: {  	_ =	swait.ge [sflag:s29], $0x1  }
0xbc: {  	[sflag:s29] =	ssyncadd.s32 $0xFFFFFFFF  }
0xbd: {  	_ =	strace $0x9000004E  }
0xbe: {  	_ =	sfence  }
0xbf: {  	s30 =	sld [smem:$0x0];
	_ =	sdelay $0x2  }
0xc0: {  	s31 =	sshll.u32 s1, $0xD;
	s1 =	sshrl.u32 s1, $0x2  }
0xc1: {  	s3 =	sand.u32 $0x4000, s31;
	s1 =	sadd.s32 s1, s30  }
0xc2: {  	s0 =	sor.u32 s3, s0;
	s1 =	sshll.u32 s1, $0x11  }
0xc3: {  	s0 =	sor.u32 s1, s0  }
0xc4: {  	s0 =	sadd.s32 $0x8F2B, s0  }
0xc5: {  	[sflag:s0] =	ssyncadd.remote.s32 $0x1  }
0xc6: {  	_ =	sfence.sel $0xFFFF  }
0xc7: {  	[dreg:$0x0] =	wrdreg $0xFFFFFFFF;
	(pc) =	sbr.abs _section_cstart, $3  }
0xc8: {  	[dreg:$0x1] =	wrdreg $0xFFFFFFFF  }
0xc9: {  	_ =	task.clear_ibuf [dreg:s8], $0x2FFFF;
	_ =	strace $0x9FFFFFFF  }
0xca: {  	(tm) =	ssettm $0x7FFFFFFF  }
0xcb: {  	_ =	shalt  }
tec
execute0_lowered:
.L_overlay_start_1:
0x0: {  	(tag) =	ssettag $0x1  }
0x1: {  	s1 =	rddreg [dreg:$0x0]  }
0x2: {  	s5 =	rddreg [dreg:$0x1]  }
0x3: {  	s6 =	rddreg [dreg:$0x2]  }
0x4: {  	s2 =	rddreg [dreg:$0x3];
	s3 =	srdreg.scid  }
0x5: {  	s4 =	simm.s32 $0x0;
	s0 =	stileid.u32;
	s17 =	simm.s32 $0x5000  }
0x6: {  	s18 =	simm.s32 $0x3;
	s19 =	simm.s32 $0x7780;
	s20 =	simm.s32 $0x2800  }
0x7: {  	s21 =	simm.s32 $0x50;
	s22 =	simm.s32 $0x1;
	s23 =	simm.s32 $0x2  }
0x8: {  	s24 =	simm.s32 $0x76C0;
	s25 =	simm.s32 $0xB580;
	s10 =	smul.u32 $0x14000, s0  }
0x9: {  	s26 =	simm.s32 $0x0;
	s7 =	sand.u32 $0x1, s3;
	s12 =	smul.u32 $0x50000, s0  }
0xa: {  	[smem:$0x7FF] =	sst s4;
	s8 =	smul.u32 $0x140000, s7;
	s9 =	sshll.u32 s7, $0x4  }
0xb: {  	_ =	strace $0x8000004D;
	s7 =	ssub.s32 $0x2, s7;
	s9 =	sor.u32 s0, s9  }
0xc: {  	s29 =	sshrl.u32 s7, $0x1;
	s31 =	sshrl.u32 s12, $0x2;
	s8 =	sadd.s32 s10, s8  }
0xd: {  	s11 =	smul.u32 $0x4E2, s9;
	s30 =	sshll.u32 s9, $0xB;
	s8 =	sshrl.u32 s8, $0x3  }
0xe: {  	s10 =	ssub.s32 s7, s29;
	s6 =	sadd.s32 s6, s30;
	s8 =	sadd.s32 s8, s5  }
0xf: {  	s11 =	sadd.s32 s11, s5;
	s7 =	sadd.s32 $0xC000, s8;
	s8 =	sadd.s32 s31, s2  }
0x10: {  	s9 =	smax.u32 s10, $0x1;
	s5 =	sadd.s32 $0x2200, s11;
	s10 =	sadd.s32 $0x2800, s8  }
0x11: {  	s11 =	sadd.s32 $0x5000, s8;
	s12 =	sadd.s32 $0x7800, s8;
	s13 =	sadd.s32 $0xA000, s8  }
0x12: {  	v0 =	vimm.f32 $0.0e+00;
	s14 =	sadd.s32 $0xC800, s8;
	s15 =	sadd.s32 $0xF000, s8;
	s16 =	sadd.s32 $0x11800, s8  }
.LBB2_1:
0x13: {  	[tilespmem:s17], [sflag:$0x3] =	stream.linear.gather [hbm4b:s5+s4], $0x2710, $0x38;
	[tilespmem:$0x1F780] =	vst v63  }
0x14: {  	_ =	swait.ge [sflag:s18], $0x2710  }
0x15: {  	[sflag:s18] =	ssyncset.done $0x0  }
0x16: {  	[sflag:s18] =	ssyncadd.s32 $0xFFFFD8F0  }
0x17: {  	[tilespmem:s19], [sflag:$0x3] =	stream.linear.gather [hbm4b:s6+s4], $0x3E80, $0x38;
	[tilespmem:$0x1F780] =	vst v63  }
0x18: {  	_ =	swait.ge [sflag:s18], $0x3E80  }
0x19: {  	[sflag:s18] =	ssyncset.done $0x0  }
0x1a: {  	s28 =	simm.s32 $0x0;
	s29 =	simm.s32 $0x200;
	[sflag:s18] =	ssyncadd.s32 $0xFFFFC180  }
.LBB2_2:
0x1b: {  	p0 =	sne.s32 s29, $0x9E00;
	[tilespmem:s28+$0x2870] =	vst v0  }
0x1c: {  	[tilespmem:s28+$0x2800] =	vst v0  }
0x1d: {  	[tilespmem:s28+$0x2810] =	vst v0  }
.Ltmp0:
0x1e: {  	[tilespmem:s28+$0x2820] =	vst v0;
	(pc) =	sbr.rel @p0 .LBB2_2-.Ltmp0, $4  }
0x1f: {  	[tilespmem:s28+$0x2830] =	vst v0  }
0x20: {  	[tilespmem:s28+$0x2840] =	vst v0  }
0x21: {  	[tilespmem:s28+$0x2850] =	vst v0  }
0x22: {  	[tilespmem:s28+$0x2860] =	vst v0;
	s28 =	sshra.s32 s29, $0x2;
	s29 =	sadd.s32 $0x200, s29  }
0x23: {  	[tilespmem:s28+$0x2870] =	vst v0  }
0x24: {  	[tilespmem:s28+$0x2800] =	vst v0  }
0x25: {  	[tilespmem:s28+$0x2810] =	vst v0  }
0x26: {  	[tilespmem:s28+$0x2820] =	vst v0  }
0x27: {  	[tilespmem:s28+$0x2830] =	vst v0  }
0x28: {  	[tilespmem:s28+$0x2840] =	vst v0  }
0x29: {  	[tilespmem:s28+$0x2850] =	vst v0  }
0x2a: {  	[tilespmem:s28+$0x2860] =	vst v0  }
0x2b: {  	[spmem:s8] =	stream.linear.scatter [tilespmem:s20], [sflag:$0x3], $0x2800, $0x38;
	[tilespmem:$0x1F780] =	vst v63  }
0x2c: {  	_ =	swait.ge [sflag:s18], $0x2800  }
0x2d: {  	[sflag:s18] =	ssyncset.done $0x0  }
0x2e: {  	[sflag:s18] =	ssyncadd.s32 $0xFFFFD800  }
0x2f: {  	[spmem:s10] =	stream.linear.scatter [tilespmem:s20], [sflag:$0x3], $0x2800, $0x38;
	[tilespmem:$0x1F780] =	vst v63  }
0x30: {  	_ =	swait.ge [sflag:s18], $0x2800  }
0x31: {  	[sflag:s18] =	ssyncset.done $0x0  }
0x32: {  	[sflag:s18] =	ssyncadd.s32 $0xFFFFD800  }
0x33: {  	[spmem:s11] =	stream.linear.scatter [tilespmem:s20], [sflag:$0x3], $0x2800, $0x38;
	[tilespmem:$0x1F780] =	vst v63  }
0x34: {  	_ =	swait.ge [sflag:s18], $0x2800  }
0x35: {  	[sflag:s18] =	ssyncset.done $0x0  }
0x36: {  	[sflag:s18] =	ssyncadd.s32 $0xFFFFD800  }
0x37: {  	[spmem:s12] =	stream.linear.scatter [tilespmem:s20], [sflag:$0x3], $0x2800, $0x38;
	[tilespmem:$0x1F780] =	vst v63  }
0x38: {  	_ =	swait.ge [sflag:s18], $0x2800  }
0x39: {  	[sflag:s18] =	ssyncset.done $0x0  }
0x3a: {  	[sflag:s18] =	ssyncadd.s32 $0xFFFFD800  }
0x3b: {  	[spmem:s13] =	stream.linear.scatter [tilespmem:s20], [sflag:$0x3], $0x2800, $0x38;
	[tilespmem:$0x1F780] =	vst v63  }
0x3c: {  	_ =	swait.ge [sflag:s18], $0x2800  }
0x3d: {  	[sflag:s18] =	ssyncset.done $0x0  }
0x3e: {  	[sflag:s18] =	ssyncadd.s32 $0xFFFFD800  }
0x3f: {  	[spmem:s14] =	stream.linear.scatter [tilespmem:s20], [sflag:$0x3], $0x2800, $0x38;
	[tilespmem:$0x1F780] =	vst v63  }
0x40: {  	_ =	swait.ge [sflag:s18], $0x2800  }
0x41: {  	[sflag:s18] =	ssyncset.done $0x0  }
0x42: {  	[sflag:s18] =	ssyncadd.s32 $0xFFFFD800  }
0x43: {  	[spmem:s15] =	stream.linear.scatter [tilespmem:s20], [sflag:$0x3], $0x2800, $0x38;
	[tilespmem:$0x1F780] =	vst v63  }
0x44: {  	_ =	swait.ge [sflag:s18], $0x2800  }
0x45: {  	[sflag:s18] =	ssyncset.done $0x0  }
0x46: {  	[sflag:s18] =	ssyncadd.s32 $0xFFFFD800  }
0x47: {  	[spmem:s16] =	stream.linear.scatter [tilespmem:s20], [sflag:$0x3], $0x2800, $0x38;
	[tilespmem:$0x1F780] =	vst v63  }
0x48: {  	_ =	swait.ge [sflag:s18], $0x2800  }
0x49: {  	[sflag:s18] =	ssyncset.done $0x0  }
0x4a: {  	[sflag:s18] =	ssyncadd.s32 $0xFFFFD800  }
0x4b: {  	s28 =	simm.s32 $0x5000;
	[bflag:$0x0] =	sbarrier.arrive $0xFFFF  }
0x4c: {  	[tilespmem:s4], [sflag:$0x1] =	stream.indirect.gather [hbm4b:s1+s21], $0x80, s28, s21, $0xb8;
	[tilespmem:$0x1F780] =	vst v63  }
0x4d: {  	s28 =	simm.s32 $0x5050  }
0x4e: {  	[tilespmem:s20], [sflag:$0x2] =	stream.indirect.gather [hbm4b:s1+s21], $0x80, s28, s21, $0xb8;
	[tilespmem:$0x1F780] =	vst v63  }
0x4f: {  	_ =	swait.ge [sflag:s22], $0x2800  }
0x50: {  	[sflag:s22] =	ssyncset.done $0x0  }
0x51: {  	s28 =	simm.s32 $0x7780;
	[sflag:s22] =	ssyncadd.s32 $0xFFFFD800  }
0x52: {  	[spmem:s2] =	stream.indirect.scatter.add.f32 [tilespmem:s4], [sflag:$0x3], $0x80, s28, s21, $0xb8;
	[tilespmem:$0x1F780] =	vst v63  }
0x53: {  	_ =	swait.ge [sflag:s18], $0x2800  }
0x54: {  	[sflag:s18] =	ssyncset.done $0x0  }
0x55: {  	[sflag:s18] =	ssyncadd.s32 $0xFFFFD800  }
0x56: {  	_ =	swait.ge [sflag:s23], $0x2800  }
0x57: {  	[sflag:s23] =	ssyncset.done $0x0  }
0x58: {  	s28 =	simm.s32 $0x7800;
	[sflag:s23] =	ssyncadd.s32 $0xFFFFD800  }
0x59: {  	[spmem:s2] =	stream.indirect.scatter.add.f32 [tilespmem:s20], [sflag:$0x3], $0x80, s28, s21, $0xb8;
	[tilespmem:$0x1F780] =	vst v63  }
0x5a: {  	s30 =	simm.s32 $0x500;
	_ =	swait.ge [sflag:s18], $0x2800  }
0x5b: {  	s29 =	simm.s32 $0xA0;
	s28 =	simm.s32 $0x7880;
	[sflag:s18] =	ssyncset.done $0x0  }
.LBB2_4:
0x5c: {  	s31 =	sadd.s32 $0x5000, s29  }
0x5d: {  	[sflag:s18] =	ssyncadd.s32 $0xFFFFD800;
	s0 =	smov.u32 s30;
	s3 =	sadd.s32 $0x280, s30  }
0x5e: {  	[tilespmem:s4], [sflag:$0x1] =	stream.indirect.gather [hbm4b:s1+s21], $0x80, s31, s21, $0xb8;
	[tilespmem:$0x1F780] =	vst v63  }
0x5f: {  	p0 =	sne.s32 s30, $0x9880;
	s29 =	sadd.s32 $0x5050, s29  }
0x60: {  	[tilespmem:s20], [sflag:$0x2] =	stream.indirect.gather [hbm4b:s1+s21], $0x80, s29, s21, $0xb8;
	[tilespmem:$0x1F780] =	vst v63  }
0x61: {  	_ =	swait.ge [sflag:s22], $0x2800  }
0x62: {  	[sflag:s22] =	ssyncset.done $0x0  }
0x63: {  	[sflag:s22] =	ssyncadd.s32 $0xFFFFD800  }
0x64: {  	[spmem:s2] =	stream.indirect.scatter.add.f32 [tilespmem:s4], [sflag:$0x3], $0x80, s28, s21, $0xb8;
	[tilespmem:$0x1F780] =	vst v63  }
0x65: {  	_ =	swait.ge [sflag:s18], $0x2800  }
0x66: {  	[sflag:s18] =	ssyncset.done $0x0  }
0x67: {  	[sflag:s18] =	ssyncadd.s32 $0xFFFFD800  }
0x68: {  	_ =	swait.ge [sflag:s23], $0x2800  }
.Ltmp1:
0x69: {  	[sflag:s23] =	ssyncset.done $0x0;
	(pc) =	sbr.rel @p0 .LBB2_4-.Ltmp1, $4  }
0x6a: {  	s29 =	sadd.s32 $0x80, s28;
	[sflag:s23] =	ssyncadd.s32 $0xFFFFD800  }
0x6b: {  	[spmem:s2] =	stream.indirect.scatter.add.f32 [tilespmem:s20], [sflag:$0x3], $0x80, s29, s21, $0xb8;
	[tilespmem:$0x1F780] =	vst v63  }
0x6c: {  	s30 =	smov.u32 s3;
	_ =	swait.ge [sflag:s18], $0x2800  }
0x6d: {  	s28 =	sadd.s32 $0x100, s28;
	s29 =	sshra.s32 s0, $0x2;
	[sflag:s18] =	ssyncset.done $0x0  }
0x6e: {  	s0 =	sadd.s32 $0x5000, s29;
	[sflag:s18] =	ssyncadd.s32 $0xFFFFD800  }
0x6f: {  	[tilespmem:s4], [sflag:$0x1] =	stream.indirect.gather [hbm4b:s1+s21], $0x80, s0, s21, $0xb8;
	[tilespmem:$0x1F780] =	vst v63  }
0x70: {  	s29 =	sadd.s32 $0x5050, s29  }
0x71: {  	[tilespmem:s20], [sflag:$0x2] =	stream.indirect.gather [hbm4b:s1+s21], $0x80, s29, s21, $0xb8;
	[tilespmem:$0x1F780] =	vst v63  }
0x72: {  	_ =	swait.ge [sflag:s22], $0x2800  }
0x73: {  	[sflag:s22] =	ssyncset.done $0x0  }
0x74: {  	[sflag:s22] =	ssyncadd.s32 $0xFFFFD800  }
0x75: {  	[spmem:s2] =	stream.indirect.scatter.add.f32 [tilespmem:s4], [sflag:$0x3], $0x80, s28, s21, $0xb8;
	[tilespmem:$0x1F780] =	vst v63  }
0x76: {  	_ =	swait.ge [sflag:s18], $0x2800  }
0x77: {  	[sflag:s18] =	ssyncset.done $0x0  }
0x78: {  	[sflag:s18] =	ssyncadd.s32 $0xFFFFD800  }
0x79: {  	_ =	swait.ge [sflag:s23], $0x2800  }
0x7a: {  	[sflag:s23] =	ssyncset.done $0x0  }
0x7b: {  	s30 =	sadd.s32 $0x80, s28;
	[sflag:s23] =	ssyncadd.s32 $0xFFFFD800  }
0x7c: {  	[spmem:s2] =	stream.indirect.scatter.add.f32 [tilespmem:s20], [sflag:$0x3], $0x80, s30, s21, $0xb8;
	[tilespmem:$0x1F780] =	vst v63  }
0x7d: {  	_ =	swait.ge [sflag:s18], $0x2800  }
0x7e: {  	[sflag:s18] =	ssyncset.done $0x0  }
0x7f: {  	[sflag:s18] =	ssyncadd.s32 $0xFFFFD800  }
0x80: {  	[tilespmem:s4], [sflag:$0x1] =	stream.indirect.gather [hbm4b:s1+s21], $0x80, s24, s21, $0xb8;
	[tilespmem:$0x1F780] =	vst v63  }
0x81: {  	_ =	swait.ge [sflag:s22], $0x2800  }
0x82: {  	[sflag:s22] =	ssyncset.done $0x0  }
0x83: {  	[sflag:s22] =	ssyncadd.s32 $0xFFFFD800  }
0x84: {  	[spmem:s2] =	stream.indirect.scatter.add.f32 [tilespmem:s4], [sflag:$0x3], $0x80, s25, s21, $0xb8;
	[tilespmem:$0x1F780] =	vst v63  }
0x85: {  	s31 =	stileid.u32;
	_ =	swait.ge [sflag:s18], $0x2800  }
0x86: {  	s3 =	sshrl.u32 s8, $0x3;
	s26 =	sadd.s32 $0x1, s26;
	[sflag:s18] =	ssyncset.done $0x0  }
0x87: {  	s0 =	sshll.u32 s31, $0x6;
	p0 =	sne.s32 s26, s9;
	[sflag:s18] =	ssyncadd.s32 $0xFFFFD800  }
.Ltmp2:
0x88: {  	s0 =	sor.u32 $0x1C03, s0;
	[bflag:$0x0] =	sbarrier.arrive $0xFFFF;
	(pc) =	sbr.rel @p0 .LBB2_1-.Ltmp2, $4  }
0x89: {  	[hbm:s7], [sflag:s0] =	dma.local [spmem:s3], $0x2800  }
0x8a: {  	_ =	swait.ge [sflag:s18], $0x2800  }
0x8b: {  	[sflag:s18] =	ssyncset.done $0x0  }
0x8c: {  	[sflag:s18] =	ssyncadd.s32 $0xFFFFD800  }
0x8d: {  	_ =	sfence.sel $0x180000  }
0x8e: {  	[bflag:$0x0] =	sbarrier.arrive $0xFFFF  }
0x8f: {  	_ =	strace $0x9000004D  }
0x90: {  	s0 =	stileid.u32;
	[bflag:$0x2] =	sbarrier.arrive $0xFFFF  }
0x91: {  	p0 =	sne.s32 s0, $0x0;
	s0 =	rddreg [dreg:$0x4]  }
0x92: {  	s0 =	sadd.s32 @!p0 $0x100000, s0  }
0x93: {  	[sflag:s0] =	ssyncadd.tile.s32 @!p0 $0x1;
	_ =	shalt  }
.Lfunc_end2:
_tile_overlayer_lowered:
.L_overlay_start_2:
0x94: {  	(tag) =	ssettag $0x2  }
0x95: {  	s0 =	rddreg [dreg:$0x0];
	s2 =	stileid.u32  }
0x96: {  	s1 =	rddreg [dreg:$0x1];
	p0 =	sne.s32 s2, $0x0  }
0x97: {  	s3 =	rddreg [dreg:$0x2];
	[bflag:$0x3] =	sbarrier.arrive $0xFFFF;
	s2 =	simm.s32 @!p0 $0x1C03  }
0x98: {  	[timem:s3], [sflag:s2] =	dma.local @!p0 [hbm:s0], s1  }
0x99: {  	s0 =	simm.s32 @!p0 $0x3  }
0x9a: {  	_ =	swait.ge @!p0 [sflag:s0], s1  }
0x9b: {  	s1 =	ssub.s32 @!p0 $0x0, s1;
	[sflag:s0] =	ssyncset.done @!p0 $0x0  }
0x9c: {  	[sflag:s0] =	ssyncadd.s32 @!p0 s1  }
0x9d: {  	[bflag:$0x3] =	sbarrier.arrive $0xFFFF  }
0x9e: {  	_ =	shalt  }

// kernel: kernel.8.cloned.1.call-start
scs
__scs_entry_jumppad:
0x0: {  	(pc) =	sbr.rel $0x88, $3  }
0x1: {  	(tag) =	ssettag $0x0;
	lr =	simm.s32 $0x1  }
0x2: {  	[smem:$0x3F9B] =	sst lr;
	_ =	strace $0xD0000000  }
0x3: {  	_ = 	snop  }
0x4: {  	_ = 	snop  }
0x5: {  	_ = 	snop  }
0x6: {  	_ = 	snop  }
0x7: {  	_ = 	snop  }
__scs_overlays_trampoline_lowered:
0x8: {  	[smem:$0x3FAA] =	sst s0  }
0x9: {  	[smem:$0x3FAB] =	sst s1  }
0xa: {  	[smem:$0x3FAC] =	sst s2  }
0xb: {  	[smem:$0x3FAD] =	sst s3  }
0xc: {  	[smem:$0x3FAE] =	sst s4  }
0xd: {  	[smem:$0x3FAF] =	sst s5  }
0xe: {  	[smem:$0x3FB0] =	sst s6  }
0xf: {  	[smem:$0x3FB1] =	sst s7  }
0x10: {  	[smem:$0x3FB2] =	sst s8  }
0x11: {  	[smem:$0x3FB3] =	sst s9;
	s0 =	simm.s32 @!p0 $0x0  }
0x12: {  	s1 =	sld [smem:$0x3F99];
	s0 =	simm.s32 @p0 $0x1  }
0x13: {  	[smem:$0x3FB4] =	sst s0;
	s0 =	simm.s32 @!p1 $0x0  }
0x14: {  	s2 =	sld [smem:$0x3F98];
	s0 =	simm.s32 @p1 $0x1  }
0x15: {  	[smem:$0x3FB5] =	sst s0;
	s0 =	simm.s32 @!p2 $0x0  }
0x16: {  	s3 =	sld [smem:$0x3FDB];
	s0 =	simm.s32 @p2 $0x1  }
0x17: {  	s4 =	simm.s32 $0x1BF5;
	[smem:$0x3FB7] =	sst s0  }
0x18: {  	s0 =	sld [smem:$0x3F9A];
	_ =	swait.ge [sflag:s4], $0x0  }
0x19: {  	s7 =	sld [smem:$0x3F9B]  }
0x1a: {  	s8 =	sadd.s32 $0xFFFFE003, lr  }
0x1b: {  	s9 =	sadd.s32 $0xFFFFFEF7, lr;
	s5 =	simm.s32 $0xFFFFFFFF;
	p2 =	slt.u32 s8, $0xFFFFF086  }
0x1c: {  	p1 =	slt.u32 s9, $0xF7A;
	s5 =	simm.s32 @!p2 $0x0  }
0x1d: {  	s5 =	simm.s32 @p1 $0x1;
	p0 =	seq.s32 s7, s2  }
0x1e: {  	s7 =	smul.u32 @!p0 $0xF7A, s2;
	p2 =	seq.s32 @!p0 s5, $0x0  }
0x1f: {  	s9 =	smul.u32 $0xF7A, s1;
	s8 =	simm.s32 @!p0 $0x1BF5;
	p2 =	por !p2, p0  }
0x20: {  	[sflag:s8] =	ssyncset.s32 @!p0 $0xFFFFF086;
	s6 =	sadd.s32 @!p0 s3, s7;
	s7 =	simm.s32 @!p0 $0x108  }
0x21: {  	s3 =	sadd.s32 s3, s9;
	s6 =	sadd.s32 @!p0 $0x88, s6;
	s7 =	simm.s32 @p2 $0x1082  }
0x22: {  	[simem:s7], [sflag:s8] =	dma.local @!p0 [hbm:s6], $0xF7A  }
0x23: {  	s9 =	sor.u32 $0xD0000000, s2;
	s6 =	simm.s32 $0x108;
	_ =	swait.ge @!p0 [sflag:s8], $0x0  }
0x24: {  	s3 =	sadd.s32 $0x88, s3;
	s6 =	simm.s32 @!p1 $0x1082;
	[sflag:s4] =	ssyncset.s32 $0xFFFFF086  }
0x25: {  	[simem:s6], [sflag:s4] =	dma.local [hbm:s3], $0xF7A  }
0x26: {  	[smem:$0x3F9B] =	sst s1;
	(tag) =	ssettag s2;
	_ =	strace s9  }
0x27: {  	s1 =	sld [smem:$0x3FAB]  }
0x28: {  	s2 =	sld [smem:$0x3FAC]  }
0x29: {  	s4 =	sld [smem:$0x3FAE]  }
0x2a: {  	p0 =	seq.s32 s5, $0x0;
	s5 =	sld [smem:$0x3FAF]  }
0x2b: {  	s6 =	sld [smem:$0x3FB0]  }
0x2c: {  	s7 =	sld [smem:$0x3FB1]  }
0x2d: {  	s3 =	simm.s32 $0x108;
	s8 =	sld [smem:$0x3FB2]  }
0x2e: {  	s3 =	simm.s32 @!p0 $0x1082;
	s9 =	sld [smem:$0x3FB3]  }
0x2f: {  	lr =	sadd.s32 s0, s3;
	s0 =	sld [smem:$0x3FAA]  }
0x30: {  	s3 =	sld [smem:$0x3FAD]  }
0x31: {  	[smem:$0x3FB6] =	sst s10  }
0x32: {  	s10 =	sld [smem:$0x3FB4];
	_ =	sdelay $0x3  }
0x33: {  	p0 =	seq.s32 s10, $0x1;
	s10 =	sld [smem:$0x3FB6];
	_ =	sdelay $0x3  }
0x34: {  	[smem:$0x3FB6] =	sst s10  }
0x35: {  	s10 =	sld [smem:$0x3FB5];
	_ =	sdelay $0x3  }
0x36: {  	p1 =	seq.s32 s10, $0x1;
	s10 =	sld [smem:$0x3FB6];
	_ =	sdelay $0x3  }
0x37: {  	[smem:$0x3FB6] =	sst s10  }
0x38: {  	s10 =	sld [smem:$0x3FB7]  }
0x39: {  	_ = 	snop;
	(pc) =	sbr.ind lr, $3  }
0x3a: {  	_ = 	snop  }
0x3b: {  	_ = 	snop  }
0x3c: {  	p2 =	seq.s32 s10, $0x1;
	s10 =	sld [smem:$0x3FB6]  }
0x3d: {  	_ =	shalt  }
0x3e: {  	_ =	shalt  }
0x3f: {  	_ =	shalt  }
0x40: {  	_ =	shalt  }
0x41: {  	_ =	shalt  }
0x42: {  	_ =	shalt  }
0x43: {  	_ =	shalt  }
0x44: {  	_ =	shalt  }
0x45: {  	_ =	shalt  }
0x46: {  	_ =	shalt  }
0x47: {  	_ =	shalt  }
0x48: {  	_ =	shalt  }
0x49: {  	_ =	shalt  }
0x4a: {  	_ =	shalt  }
0x4b: {  	_ =	shalt  }
0x4c: {  	_ =	shalt  }
0x4d: {  	_ =	shalt  }
0x4e: {  	_ =	shalt  }
0x4f: {  	_ =	shalt  }
0x50: {  	_ =	shalt  }
0x51: {  	_ =	shalt  }
0x52: {  	_ =	shalt  }
0x53: {  	_ =	shalt  }
0x54: {  	_ =	shalt  }
0x55: {  	_ =	shalt  }
0x56: {  	_ =	shalt  }
0x57: {  	_ =	shalt  }
0x58: {  	_ =	shalt  }
0x59: {  	_ =	shalt  }
0x5a: {  	_ =	shalt  }
0x5b: {  	_ =	shalt  }
0x5c: {  	_ =	shalt  }
0x5d: {  	_ =	shalt  }
0x5e: {  	_ =	shalt  }
0x5f: {  	_ =	shalt  }
0x60: {  	_ =	shalt  }
0x61: {  	_ =	shalt  }
0x62: {  	_ =	shalt  }
0x63: {  	_ =	shalt  }
0x64: {  	_ =	shalt  }
0x65: {  	_ =	shalt  }
0x66: {  	_ =	shalt  }
0x67: {  	_ =	shalt  }
0x68: {  	_ =	shalt  }
0x69: {  	_ =	shalt  }
0x6a: {  	_ =	shalt  }
0x6b: {  	_ =	shalt  }
0x6c: {  	_ =	shalt  }
0x6d: {  	_ =	shalt  }
0x6e: {  	_ =	shalt  }
0x6f: {  	_ =	shalt  }
0x70: {  	_ =	shalt  }
0x71: {  	_ =	shalt  }
0x72: {  	_ =	shalt  }
0x73: {  	_ =	shalt  }
0x74: {  	_ =	shalt  }
0x75: {  	_ =	shalt  }
0x76: {  	_ =	shalt  }
0x77: {  	_ =	shalt  }
0x78: {  	_ =	shalt  }
0x79: {  	_ =	shalt  }
0x7a: {  	_ =	shalt  }
0x7b: {  	_ =	shalt  }
0x7c: {  	_ =	shalt  }
0x7d: {  	_ =	shalt  }
0x7e: {  	_ =	shalt  }
0x7f: {  	_ =	shalt  }
0x80: {  	_ =	shalt  }
0x81: {  	_ =	shalt  }
0x82: {  	_ =	shalt  }
0x83: {  	_ =	shalt  }
0x84: {  	_ =	shalt  }
0x85: {  	_ =	shalt  }
0x86: {  	_ =	shalt  }
0x87: {  	_ =	shalt  }
.Lfunc_end0:
.L_simem_size_0:
called_computation_lowered:
.L_overlay_start_0:
0x88: {  	s2 =	sld [smem:$0x3FD9]  }
0x89: {  	s3 =	sld [smem:$0x3FFE];
	_ =	sdelay $0x1  }
0x8a: {  	s1 =	srdreg.scid  }
0x8b: {  	s0 =	sand.u32 $0x1, s1  }
0x8c: {  	s14 =	sshll.u32 s0, $0xA;
	s2 =	sadd.s32 s3, s2  }
0x8d: {  	s2 =	sadd.s32 s2, s14  }
0x8e: {  	[smem:$0x3FC2] =	sst s2  }
0x8f: {  	_ = 	snop  }
0x90: {  	s2 =	sld [smem:$0x3FD0];
	_ =	sdelay $0x2  }
0x91: {  	s15 =	simm.s32 $0xA;
	s4 =	simm.s32 $0x10  }
0x92: {  	[smem:s4], [sflag:s15] =	dma.local [hbm:s2], $0x1  }
0x93: {  	_ =	swait.eq [sflag:s15], $0x1  }
0x94: {  	[sflag:s15] =	ssyncset.done $0x0  }
0x95: {  	[sflag:s15] =	ssyncadd.s32 $0xFFFFFFFF  }
0x96: {  	s16 =	sld [smem:$0x11];
	(tm) =	ssettm $0x1  }
0x97: {  	s17 =	sld [smem:$0x3FFB];
	_ =	sdelay $0x3  }
0x98: {  	_ =	strace s17  }
0x99: {  	s3 =	sld [smem:$0x3FFC];
	_ =	sdelay $0x3  }
0x9a: {  	_ =	strace s3  }
0x9b: {  	s3 =	sld [smem:$0x3FFD];
	_ =	sdelay $0x3  }
0x9c: {  	_ =	strace s3  }
0x9d: {  	_ =	strace $0x8FFFFFFF  }
0x9e: {  	s18 =	sld [smem:$0x3FDB];
	_ =	sdelay $0x1  }
0x9f: {  	s19 =	simm.s32 $_scs_section_size  }
0xa0: {  	s5 =	simm.s32 $_size__tile_overlayer_lowered;
	s6 =	simm.s32 $_tile_overlayer_lowered  }
0xa1: {  	s22 =	simm.s32 $0x1BFF;
	s21 =	sshll.u32 s6, $0x1;
	s3 =	sadd.s32 s19, s18  }
0xa2: {  	s7 =	simm.s32 $0x0;
	s20 =	sshll.u32 s5, $0x1;
	s5 =	sadd.s32 s21, s3  }
0xa3: {  	[timem:s7], [sflag:s22] =	dma.local [hbm:s5], s20  }
0xa4: {  	_ =	swait.ge [sflag:s22], s20  }
0xa5: {  	s4 =	ssub.s32 $0x0, s20;
	[sflag:s22] =	ssyncset.done $0x0  }
0xa6: {  	[sflag:s22] =	ssyncadd.s32 s4;
	_ =	sdelay $0x1  }
0xa7: {  	s23 =	simm.s32 $0x1B8B  }
0xa8: {  	_ =	swait.ge [sflag:s23], $0x1  }
0xa9: {  	[sflag:s23] =	ssyncset.done $0x0  }
0xaa: {  	s25 =	simm.s32 $0x1B8E;
	s24 =	sld [smem:$0x3FFE];
	[sflag:s23] =	ssyncadd.s32 $0xFFFFFFFF  }
0xab: {  	s26 =	simm.s32 $execute0_lowered;
	[smem:$0x3FD2] =	sst s25  }
0xac: {  	s5 =	sshll.u32 s26, $0x1;
	_ =	strace $0x80000046;
	[dreg:$0x1] =	wrdreg $0xFFFFFFFF  }
0xad: {  	s28 =	simm.s32 $_size_execute0_lowered;
	s3 =	sadd.s32 s3, s5;
	[dreg:$0x0] =	wrdreg $0x0  }
0xae: {  	s5 =	sshll.u32 s28, $0x1;
	[dreg:$0x2] =	wrdreg s3  }
0xaf: {  	[dreg:$0x3] =	wrdreg s5  }
0xb0: {  	[dreg:$0x4] =	wrdreg $0xC0  }
0xb1: {  	_ =	task [dreg:s7], $0x5FFFF  }
0xb2: {  	[dreg:$0x1] =	wrdreg $0xFFFFFFFF  }
0xb3: {  	[dreg:$0x0] =	wrdreg $0x60  }
0xb4: {  	[dreg:$0x2] =	wrdreg s24  }
0xb5: {  	[dreg:$0x3] =	wrdreg s16  }
0xb6: {  	[dreg:$0x4] =	wrdreg $0x69000  }
0xb7: {  	[dreg:$0x5] =	wrdreg $0x91000  }
0xb8: {  	[dreg:$0x6] =	wrdreg $0x9  }
0xb9: {  	_ =	task.clear_ibuf [dreg:s7], $0x7FFFF;
	_ =	strace $0x90000046  }
0xba: {  	s29 =	simm.s32 $0x9;
	_ =	strace $0x80000048  }
0xbb: {  	_ =	swait.ge [sflag:s29], $0x1  }
0xbc: {  	[sflag:s29] =	ssyncadd.s32 $0xFFFFFFFF  }
0xbd: {  	_ =	strace $0x90000048  }
0xbe: {  	_ =	sfence  }
0xbf: {  	s30 =	sld [smem:$0x0];
	_ =	sdelay $0x2  }
0xc0: {  	s31 =	sshll.u32 s1, $0xD;
	s1 =	sshrl.u32 s1, $0x2  }
0xc1: {  	s3 =	sand.u32 $0x4000, s31;
	s1 =	sadd.s32 s1, s30  }
0xc2: {  	s0 =	sor.u32 s3, s0;
	s1 =	sshll.u32 s1, $0x11  }
0xc3: {  	s0 =	sor.u32 s1, s0  }
0xc4: {  	s0 =	sadd.s32 $0x8F2B, s0  }
0xc5: {  	[sflag:s0] =	ssyncadd.remote.s32 $0x1  }
0xc6: {  	_ =	sfence.sel $0xFFFF  }
0xc7: {  	[dreg:$0x0] =	wrdreg $0xFFFFFFFF;
	(pc) =	sbr.abs _section_cstart, $3  }
0xc8: {  	[dreg:$0x1] =	wrdreg $0xFFFFFFFF  }
0xc9: {  	_ =	task.clear_ibuf [dreg:s7], $0x2FFFF;
	_ =	strace $0x9FFFFFFF  }
0xca: {  	(tm) =	ssettm $0x7FFFFFFF  }
0xcb: {  	_ =	shalt  }
tec
execute0_lowered:
.L_overlay_start_1:
0x0: {  	(tag) =	ssettag $0x1  }
0x1: {  	s5 =	rddreg [dreg:$0x0]  }
0x2: {  	s18 =	rddreg [dreg:$0x1]  }
0x3: {  	s2 =	rddreg [dreg:$0x2]  }
0x4: {  	s0 =	srdreg.scid;
	s3 =	rddreg [dreg:$0x3]  }
0x5: {  	s1 =	rddreg [dreg:$0x4];
	s6 =	sand.u32 $0x1, s0  }
0x6: {  	s4 =	simm.s32 $0x0;
	s0 =	stileid.u32;
	s7 =	smul.u32 $0x27100, s6  }
0x7: {  	s21 =	simm.s32 $0x1;
	s22 =	simm.s32 $0x2800;
	s14 =	smul.u32 $0x14000, s0  }
0x8: {  	s23 =	simm.s32 $0x2880;
	s24 =	simm.s32 $0x50;
	s8 =	smul.u32 $0x140000, s6  }
0x9: {  	[smem:$0x7FF] =	sst s4;
	s9 =	smul.u32 $0x2710, s0;
	s6 =	ssub.s32 $0x2, s6  }
0xa: {  	s25 =	simm.s32 $0x0;
	_ =	strace $0x80000047;
	s30 =	sshrl.u32 s6, $0x1  }
0xb: {  	s8 =	sadd.s32 s14, s8;
	s7 =	sadd.s32 s9, s7;
	s31 =	ssub.s32 s6, s30  }
0xc: {  	s6 =	sadd.s32 s14, s2;
	s11 =	sadd.s32 $0x4000, s14;
	s13 =	sadd.s32 $0x8000, s14  }
0xd: {  	s15 =	sadd.s32 $0xC000, s14;
	s17 =	sadd.s32 $0x10000, s14;
	s8 =	sshrl.u32 s8, $0x3  }
0xe: {  	s19 =	sshrl.u32 s7, $0x3;
	s9 =	smax.u32 s31, $0x1;
	s10 =	sadd.s32 s11, s2  }
0xf: {  	s11 =	sadd.s32 s11, s3;
	s12 =	sadd.s32 s13, s2;
	s13 =	sadd.s32 s13, s3  }
0x10: {  	s16 =	sadd.s32 s17, s2;
	s17 =	sadd.s32 s17, s3;
	s29 =	sadd.s32 s8, s5  }
0x11: {  	s20 =	sadd.s32 s19, s5;
	s8 =	sadd.s32 s14, s3;
	s14 =	sadd.s32 s15, s2  }
0x12: {  	s15 =	sadd.s32 s15, s3;
	s18 =	sadd.s32 s19, s18;
	s5 =	sadd.s32 $0xC000, s29  }
0x13: {  	v0 =	vimm.f32 $1.000000000e+00;
	v1 =	vimm.f32 $0.0e+00;
	s7 =	sadd.s32 $0x5C000, s29;
	s19 =	sadd.s32 $0x2200, s20;
	s20 =	simm.s32 $0x2900  }
.LBB2_1:
0x14: {  	s26 =	simm.s32 $0x0  }
.LBB2_2:
0x15: {  	p0 =	sne.s32 s26, $0x9E00  }
.Ltmp0:
0x16: {  	_ = 	snop;
	(pc) =	sbr.rel @p0 .LBB2_2-.Ltmp0, $3  }
0x17: {  	_ =	sdelay $0x1  }
0x18: {  	s28 =	sshra.s32 s26, $0x2  }
0x19: {  	s26 =	sadd.s32 $0x200, s26;
	[tilespmem:s28+$0x0] =	vst v0  }
0x1a: {  	s26 =	simm.s32 $0x200;
	s28 =	simm.s32 $0x0  }
.LBB2_4:
0x1b: {  	p0 =	sne.s32 s26, $0xFE00;
	[tilespmem:s28+$0x2900] =	vst v1;
	s28 =	smov.u32 s26;
	s26 =	sadd.s32 $0x200, s26  }
.Ltmp1:
0x1c: {  	(pc) =	sbr.rel @p0 .LBB2_4-.Ltmp1, $2  }
0x1d: {  	_ =	sdelay $0x2  }
0x1e: {  	s28 =	sshra.s32 s28, $0x2  }
0x1f: {  	[tilespmem:s28+$0x2900] =	vst v1  }
0x20: {  	[spmem:s6] =	stream.linear.scatter [tilespmem:s20], [sflag:$0x1], $0x4000, $0x38;
	[tilespmem:$0xB900] =	vst v63  }
0x21: {  	_ =	swait.ge [sflag:s21], $0x4000  }
0x22: {  	[sflag:s21] =	ssyncset.done $0x0  }
0x23: {  	[sflag:s21] =	ssyncadd.s32 $0xFFFFC000  }
0x24: {  	[spmem:s8] =	stream.linear.scatter [tilespmem:s20], [sflag:$0x1], $0x4000, $0x38;
	[tilespmem:$0xB900] =	vst v63  }
0x25: {  	_ =	swait.ge [sflag:s21], $0x4000  }
0x26: {  	[sflag:s21] =	ssyncset.done $0x0  }
0x27: {  	[sflag:s21] =	ssyncadd.s32 $0xFFFFC000  }
0x28: {  	[spmem:s10] =	stream.linear.scatter [tilespmem:s20], [sflag:$0x1], $0x4000, $0x38;
	[tilespmem:$0xB900] =	vst v63  }
0x29: {  	_ =	swait.ge [sflag:s21], $0x4000  }
0x2a: {  	[sflag:s21] =	ssyncset.done $0x0  }
0x2b: {  	[sflag:s21] =	ssyncadd.s32 $0xFFFFC000  }
0x2c: {  	[spmem:s11] =	stream.linear.scatter [tilespmem:s20], [sflag:$0x1], $0x4000, $0x38;
	[tilespmem:$0xB900] =	vst v63  }
0x2d: {  	_ =	swait.ge [sflag:s21], $0x4000  }
0x2e: {  	[sflag:s21] =	ssyncset.done $0x0  }
0x2f: {  	[sflag:s21] =	ssyncadd.s32 $0xFFFFC000  }
0x30: {  	[spmem:s12] =	stream.linear.scatter [tilespmem:s20], [sflag:$0x1], $0x4000, $0x38;
	[tilespmem:$0xB900] =	vst v63  }
0x31: {  	_ =	swait.ge [sflag:s21], $0x4000  }
0x32: {  	[sflag:s21] =	ssyncset.done $0x0  }
0x33: {  	[sflag:s21] =	ssyncadd.s32 $0xFFFFC000  }
0x34: {  	[spmem:s13] =	stream.linear.scatter [tilespmem:s20], [sflag:$0x1], $0x4000, $0x38;
	[tilespmem:$0xB900] =	vst v63  }
0x35: {  	_ =	swait.ge [sflag:s21], $0x4000  }
0x36: {  	[sflag:s21] =	ssyncset.done $0x0  }
0x37: {  	[sflag:s21] =	ssyncadd.s32 $0xFFFFC000  }
0x38: {  	[spmem:s14] =	stream.linear.scatter [tilespmem:s20], [sflag:$0x1], $0x4000, $0x38;
	[tilespmem:$0xB900] =	vst v63  }
0x39: {  	_ =	swait.ge [sflag:s21], $0x4000  }
0x3a: {  	[sflag:s21] =	ssyncset.done $0x0  }
0x3b: {  	[sflag:s21] =	ssyncadd.s32 $0xFFFFC000  }
0x3c: {  	[spmem:s15] =	stream.linear.scatter [tilespmem:s20], [sflag:$0x1], $0x4000, $0x38;
	[tilespmem:$0xB900] =	vst v63  }
0x3d: {  	_ =	swait.ge [sflag:s21], $0x4000  }
0x3e: {  	[sflag:s21] =	ssyncset.done $0x0  }
0x3f: {  	[sflag:s21] =	ssyncadd.s32 $0xFFFFC000  }
0x40: {  	[spmem:s16] =	stream.linear.scatter [tilespmem:s20], [sflag:$0x1], $0x4000, $0x38;
	[tilespmem:$0xB900] =	vst v63  }
0x41: {  	_ =	swait.ge [sflag:s21], $0x4000  }
0x42: {  	[sflag:s21] =	ssyncset.done $0x0  }
0x43: {  	[sflag:s21] =	ssyncadd.s32 $0xFFFFC000  }
0x44: {  	[spmem:s17] =	stream.linear.scatter [tilespmem:s20], [sflag:$0x1], $0x4000, $0x38;
	[tilespmem:$0xB900] =	vst v63  }
0x45: {  	_ =	swait.ge [sflag:s21], $0x4000  }
0x46: {  	[sflag:s21] =	ssyncset.done $0x0  }
0x47: {  	[sflag:s21] =	ssyncadd.s32 $0xFFFFC000  }
0x48: {  	s26 =	sadd.s32 $0x0, s19;
	[bflag:$0x0] =	sbarrier.arrive $0xFFFF  }
0x49: {  	[tilespmem:s22], [sflag:$0x1] =	stream.linear.gather [hbm4b:s26+s4], $0x50, $0x38;
	[tilespmem:$0xB900] =	vst v63  }
0x4a: {  	_ =	swait.ge [sflag:s21], $0x50  }
0x4b: {  	[sflag:s21] =	ssyncset.done $0x0  }
0x4c: {  	s31 =	sadd.s32 $0x0, s18;
	[sflag:s21] =	ssyncadd.s32 $0xFFFFFFB0  }
0x4d: {  	[tilespmem:s23], [sflag:$0x1] =	stream.linear.gather [hbm4b:s31+s4], $0x50, $0x38;
	[tilespmem:$0xB900] =	vst v63  }
0x4e: {  	_ =	swait.ge [sflag:s21], $0x50  }
0x4f: {  	[sflag:s21] =	ssyncset.done $0x0  }
0x50: {  	[sflag:s21] =	ssyncadd.s32 $0xFFFFFFB0  }
0x51: {  	[spmem:s2] =	stream.indirect.scatter.add.f32 [tilespmem:s4], [sflag:$0x1], $0x10, s22, s24, $0xb8;
	[tilespmem:$0xB900] =	vst v63  }
0x52: {  	_ =	swait.ge [sflag:s21], $0x500  }
0x53: {  	[sflag:s21] =	ssyncset.done $0x0  }
0x54: {  	[sflag:s21] =	ssyncadd.s32 $0xFFFFFB00  }
0x55: {  	[spmem:s3] =	stream.indirect.scatter.add.f32 [tilespmem:s4], [sflag:$0x1], $0x10, s23, s24, $0xb8;
	[tilespmem:$0xB900] =	vst v63  }
0x56: {  	_ =	swait.ge [sflag:s21], $0x500  }
0x57: {  	s28 =	simm.s32 $0x14;
	s26 =	simm.s32 $0xA;
	[sflag:s21] =	ssyncset.done $0x0  }
.LBB2_6:
0x58: {  	s29 =	sadd.s32 s26, s19  }
0x59: {  	[sflag:s21] =	ssyncadd.s32 $0xFFFFFB00;
	s30 =	smov.u32 s28;
	s31 =	sadd.s32 $0xA, s28  }
0x5a: {  	[tilespmem:s22], [sflag:$0x1] =	stream.linear.gather [hbm4b:s29+s4], $0x50, $0x38;
	[tilespmem:$0xB900] =	vst v63  }
0x5b: {  	p0 =	sne.s32 s28, $0x4D8;
	_ =	swait.ge [sflag:s21], $0x50  }
0x5c: {  	[sflag:s21] =	ssyncset.done $0x0  }
0x5d: {  	s28 =	sadd.s32 s26, s18;
	s26 =	smov.u32 s30;
	[sflag:s21] =	ssyncadd.s32 $0xFFFFFFB0  }
0x5e: {  	[tilespmem:s23], [sflag:$0x1] =	stream.linear.gather [hbm4b:s28+s4], $0x50, $0x38;
	[tilespmem:$0xB900] =	vst v63  }
0x5f: {  	_ =	swait.ge [sflag:s21], $0x50  }
0x60: {  	[sflag:s21] =	ssyncset.done $0x0  }
0x61: {  	[sflag:s21] =	ssyncadd.s32 $0xFFFFFFB0  }
0x62: {  	[spmem:s2] =	stream.indirect.scatter.add.f32 [tilespmem:s4], [sflag:$0x1], $0x10, s22, s24, $0xb8;
	[tilespmem:$0xB900] =	vst v63  }
0x63: {  	_ =	swait.ge [sflag:s21], $0x500  }
.Ltmp2:
0x64: {  	[sflag:s21] =	ssyncset.done $0x0;
	(pc) =	sbr.rel @p0 .LBB2_6-.Ltmp2, $4  }
0x65: {  	[sflag:s21] =	ssyncadd.s32 $0xFFFFFB00  }
0x66: {  	[spmem:s3] =	stream.indirect.scatter.add.f32 [tilespmem:s4], [sflag:$0x1], $0x10, s23, s24, $0xb8;
	[tilespmem:$0xB900] =	vst v63  }
0x67: {  	_ =	swait.ge [sflag:s21], $0x500  }
0x68: {  	s28 =	smov.u32 s31;
	[sflag:s21] =	ssyncset.done $0x0  }
0x69: {  	s28 =	sadd.s32 s26, s19;
	[sflag:s21] =	ssyncadd.s32 $0xFFFFFB00  }
0x6a: {  	[tilespmem:s22], [sflag:$0x1] =	stream.linear.gather [hbm4b:s28+s4], $0x50, $0x38;
	[tilespmem:$0xB900] =	vst v63  }
0x6b: {  	_ =	swait.ge [sflag:s21], $0x50  }
0x6c: {  	[sflag:s21] =	ssyncset.done $0x0  }
0x6d: {  	s28 =	sadd.s32 s26, s18;
	[sflag:s21] =	ssyncadd.s32 $0xFFFFFFB0  }
0x6e: {  	[tilespmem:s23], [sflag:$0x1] =	stream.linear.gather [hbm4b:s28+s4], $0x50, $0x38;
	[tilespmem:$0xB900] =	vst v63  }
0x6f: {  	_ =	swait.ge [sflag:s21], $0x50  }
0x70: {  	[sflag:s21] =	ssyncset.done $0x0  }
0x71: {  	[sflag:s21] =	ssyncadd.s32 $0xFFFFFFB0  }
0x72: {  	[spmem:s2] =	stream.indirect.scatter.add.f32 [tilespmem:s4], [sflag:$0x1], $0x10, s22, s24, $0xb8;
	[tilespmem:$0xB900] =	vst v63  }
0x73: {  	_ =	swait.ge [sflag:s21], $0x500  }
0x74: {  	[sflag:s21] =	ssyncset.done $0x0  }
0x75: {  	[sflag:s21] =	ssyncadd.s32 $0xFFFFFB00  }
0x76: {  	[spmem:s3] =	stream.indirect.scatter.add.f32 [tilespmem:s4], [sflag:$0x1], $0x10, s23, s24, $0xb8;
	[tilespmem:$0xB900] =	vst v63  }
0x77: {  	_ =	swait.ge [sflag:s21], $0x500  }
0x78: {  	[sflag:s21] =	ssyncset.done $0x0  }
0x79: {  	s29 =	sshll.u32 s0, $0x6;
	[sflag:s21] =	ssyncadd.s32 $0xFFFFFB00  }
0x7a: {  	s30 =	sshrl.u32 s6, $0x3;
	s26 =	sor.u32 $0x1C01, s29;
	[bflag:$0x0] =	sbarrier.arrive $0xFFFF  }
0x7b: {  	[hbm:s5], [sflag:s26] =	dma.local [spmem:s30], $0x2800  }
0x7c: {  	s25 =	sadd.s32 $0x1, s25;
	_ =	swait.ge [sflag:s21], $0x2800  }
0x7d: {  	p0 =	sne.s32 s25, s9;
	[sflag:s21] =	ssyncset.done $0x0  }
.Ltmp3:
0x7e: {  	s31 =	sshrl.u32 s8, $0x3;
	[sflag:s21] =	ssyncadd.s32 $0xFFFFD800;
	(pc) =	sbr.rel @p0 .LBB2_1-.Ltmp3, $4  }
0x7f: {  	[hbm:s7], [sflag:s26] =	dma.local [spmem:s31], $0x2800  }
0x80: {  	_ =	swait.ge [sflag:s21], $0x2800  }
0x81: {  	[sflag:s21] =	ssyncset.done $0x0  }
0x82: {  	[sflag:s21] =	ssyncadd.s32 $0xFFFFD800  }
0x83: {  	_ =	sfence.sel $0x180000  }
0x84: {  	[bflag:$0x0] =	sbarrier.arrive $0xFFFF  }
0x85: {  	p0 =	sne.s32 s0, $0x0;
	_ =	strace $0x90000047  }
0x86: {  	s0 =	sadd.s32 @!p0 $0x100000, s1;
	[bflag:$0x2] =	sbarrier.arrive $0xFFFF  }
0x87: {  	[sflag:s0] =	ssyncadd.tile.s32 @!p0 $0x1;
	_ =	shalt  }
.Lfunc_end2:
_tile_overlayer_lowered:
.L_overlay_start_2:
0x88: {  	(tag) =	ssettag $0x2  }
0x89: {  	s0 =	rddreg [dreg:$0x0];
	s2 =	stileid.u32  }
0x8a: {  	s1 =	rddreg [dreg:$0x1];
	p0 =	sne.s32 s2, $0x0  }
0x8b: {  	s3 =	rddreg [dreg:$0x2];
	[bflag:$0x3] =	sbarrier.arrive $0xFFFF;
	s2 =	simm.s32 @!p0 $0x1C01  }
0x8c: {  	[timem:s3], [sflag:s2] =	dma.local @!p0 [hbm:s0], s1  }
0x8d: {  	s0 =	simm.s32 @!p0 $0x1  }
0x8e: {  	_ =	swait.ge @!p0 [sflag:s0], s1  }
0x8f: {  	s1 =	ssub.s32 @!p0 $0x0, s1;
	[sflag:s0] =	ssyncset.done @!p0 $0x0  }
0x90: {  	[sflag:s0] =	ssyncadd.s32 @!p0 s1  }
0x91: {  	[bflag:$0x3] =	sbarrier.arrive $0xFFFF  }
0x92: {  	_ =	shalt  }

</sc_bundles>
